<compile_context>
chip_gen: v7x
topology: tpu7x:2x2x1
jax: 0.10.2.dev20260603
libtpu: 0.0.44.dev20260713+nightly
codegen_flags: <defaults>
</compile_context>

<pallas_src>
import jax
import jax.numpy as jnp
from jax import lax
from jax.experimental import pallas as pl
from jax.experimental.pallas import tpu as pltpu
from jax.experimental.pallas import tpu_sc as plsc

NC = 2
NS = 16
L = 16
NW = NC * NS

BATCH = 16384
K = 50
DPAD = 128
BPW = BATCH // NW
CHUNK = 128
NCHUNK = BPW // CHUNK
NSLOT = 2


def _sc_body(heads_hbm, rels_hbm, tails_hbm, embed_e_hbm, embed_r_hbm,
             out_hbm, idx_h, idx_r, idx_t, rows_h, rows_r, rows_t,
             acc_v, sem0, sem1):
    wid = lax.axis_index("s") * NC + lax.axis_index("c")
    sems = (sem0, sem1)

    pltpu.sync_copy(heads_hbm.at[wid], idx_h)
    pltpu.sync_copy(rels_hbm.at[wid], idx_r)
    pltpu.sync_copy(tails_hbm.at[wid], idx_t)

    def chunk_copies(j):
        s = j % NSLOT
        return [
            pltpu.make_async_copy(embed_e_hbm.at[idx_h.at[j]],
                                  rows_h.at[s], sems[s]),
            pltpu.make_async_copy(embed_r_hbm.at[idx_r.at[j]],
                                  rows_r.at[s], sems[s]),
            pltpu.make_async_copy(embed_e_hbm.at[idx_t.at[j]],
                                  rows_t.at[s], sems[s]),
        ]

    zero = jnp.zeros((L,), jnp.float32)

    for c in chunk_copies(0):
        c.start()

    acc = zero
    for j in range(NCHUNK):
        s = j % NSLOT
        for c in chunk_copies(j):
            c.wait()
        if j + 1 < NCHUNK:
            for c in chunk_copies(j + 1):
                c.start()

        def body(i, a, s=s):
            for c0 in (0, L, 2 * L, 3 * L):
                d = (rows_h[s, i, pl.ds(c0, L)] + rows_r[s, i, pl.ds(c0, L)]
                     - rows_t[s, i, pl.ds(c0, L)])
                a = a + jnp.abs(d)
            return a

        acc = lax.fori_loop(0, CHUNK, body, acc)

    acc_v[...] = acc
    pltpu.sync_copy(acc_v, out_hbm.at[wid])


@jax.jit
def kernel(heads, rels, tails, embed_e, embed_r):
    heads_r = heads.astype(jnp.int32).reshape(NW, NCHUNK, CHUNK)
    rels_r = rels.astype(jnp.int32).reshape(NW, NCHUNK, CHUNK)
    tails_r = tails.astype(jnp.int32).reshape(NW, NCHUNK, CHUNK)
    embed_e_p = jnp.pad(embed_e, ((0, 0), (0, DPAD - K)))
    embed_r_p = jnp.pad(embed_r, ((0, 0), (0, DPAD - K)))

    mesh = plsc.VectorSubcoreMesh(
        core_axis_name="c", subcore_axis_name="s",
        num_cores=NC, num_subcores=NS)
    run = pl.kernel(
        _sc_body,
        out_type=jax.ShapeDtypeStruct((NW, L), jnp.float32),
        mesh=mesh,
        scratch_types=[
            pltpu.VMEM((NCHUNK, CHUNK), jnp.int32),
            pltpu.VMEM((NCHUNK, CHUNK), jnp.int32),
            pltpu.VMEM((NCHUNK, CHUNK), jnp.int32),
            pltpu.VMEM((NSLOT, CHUNK, DPAD), jnp.float32),
            pltpu.VMEM((NSLOT, CHUNK, DPAD), jnp.float32),
            pltpu.VMEM((NSLOT, CHUNK, DPAD), jnp.float32),
            pltpu.VMEM((L,), jnp.float32),
            pltpu.SemaphoreType.DMA,
            pltpu.SemaphoreType.DMA,
        ],
    )
    partials = run(heads_r, rels_r, tails_r, embed_e_p, embed_r_p)
    return jnp.sum(partials)

# --- scband reference (transcript-rebuilt; emitter-appended) ---
"""Pipeline reference for scband-trans-e-70961449665013 (READ-ONLY COPY).

The authoritative reference and input builder live on the scoring server;
editing this copy changes nothing except your own understanding.
"""

import jax, jax.numpy as jnp
import numpy as np

N_ENT = 14951
N_REL = 1345
K = 50
BATCH = 16384

def setup_inputs(seed: int = 0) -> dict:
    key = jax.random.key(seed)
    k1, k2, k3, k4, k5 = jax.random.split(key, 5)
    heads = jax.random.randint(k1, (BATCH,), 0, N_ENT, dtype=jnp.int64) if jax.config.jax_enable_x64 else jax.random.randint(k1, (BATCH,), 0, N_ENT).astype(jnp.int32)
    rels = jax.random.randint(k2, (BATCH,), 0, N_REL).astype(heads.dtype)
    tails = jax.random.randint(k3, (BATCH,), 0, N_ENT).astype(heads.dtype)
    sqrt_size = 6.0 / np.sqrt(K)
    embed_e = jax.random.uniform(k4, (N_ENT, K), dtype=jnp.float32, minval=-sqrt_size, maxval=sqrt_size)
    embed_r = jax.random.uniform(k5, (N_REL, K), dtype=jnp.float32, minval=-sqrt_size, maxval=sqrt_size)
    return {"heads": heads, "rels": rels, "tails": tails, "embed_e": embed_e, "embed_r": embed_r}

def reference(heads, rels, tails, embed_e, embed_r):
    embed_heads = jnp.take(embed_e, heads, axis=0)
    embed_rels = jnp.take(embed_r, rels, axis=0)
    embed_tails = jnp.take(embed_e, tails, axis=0)
    # torch.norm(x, p=1) with no dim flattens the tensor -> scalar L1 norm
    scores = jnp.sum(jnp.abs(embed_heads + embed_rels - embed_tails))
    return scores

if __name__ == "__main__":
    import jax
    _d = setup_inputs()
    print(jax.jit(kernel)(*tuple(_d.values())))

</pallas_src>

<mosaic_0001>
#map = affine_map<(d0, d1) -> (0, 0, 0)>
#map1 = affine_map<(d0, d1) -> (0, 0)>
module attributes {stable_mosaic.version = 14 : i64} {
  func.func @_sc_body(%arg0: i32, %arg1: i32, %arg2: memref<32x4x128xi32, #tpu.memory_space<hbm>>, %arg3: memref<32x4x128xi32, #tpu.memory_space<hbm>>, %arg4: memref<32x4x128xi32, #tpu.memory_space<hbm>>, %arg5: memref<14951x128xf32, #tpu.memory_space<hbm>>, %arg6: memref<1345x128xf32, #tpu.memory_space<hbm>>, %arg7: memref<32x16xf32, #tpu.memory_space<hbm>>, %arg8: memref<4x128xi32, #tpu.memory_space<vmem>>, %arg9: memref<4x128xi32, #tpu.memory_space<vmem>>, %arg10: memref<4x128xi32, #tpu.memory_space<vmem>>, %arg11: memref<2x128x128xf32, #tpu.memory_space<vmem>>, %arg12: memref<2x128x128xf32, #tpu.memory_space<vmem>>, %arg13: memref<2x128x128xf32, #tpu.memory_space<vmem>>, %arg14: memref<16xf32, #tpu.memory_space<vmem>>, %arg15: memref<!tpu.dma_semaphore, #tpu.memory_space<semaphore_mem>>, %arg16: memref<!tpu.dma_semaphore, #tpu.memory_space<semaphore_mem>>) attributes {dimension_semantics = [#tpu.dimension_semantics<core_parallel>, #tpu.dimension_semantics<subcore_parallel>], iteration_bounds = array<i64: 2, 16>, scalar_prefetch = 0 : i64, scratch_operands = 9 : i64, tpu.core_type = #tpu.core_type<sc_vector_subcore>, window_params = [{transform_indices = #map}, {transform_indices = #map}, {transform_indices = #map}, {transform_indices = #map1}, {transform_indices = #map1}, {transform_indices = #map1}]} {
    %mul3A = arith.constant 2 : i32
    %mul3A_0 = arith.muli %arg1, %mul3A : i32
    %add3A = arith.addi %mul3A_0, %arg0 : i32
    "tpu.region"() ({
      %run_scoped3A = tpu.sem_alloc : memref<!tpu.dma_semaphore, #tpu.memory_space<semaphore_mem>>
      %dma_start3A_314 = arith.constant 0 : i32
      %dma_start3A_315 = arith.constant 0 : i32
      %dma_start3A_316 = tpu.memref_slice %arg2[%add3A, %dma_start3A_314, %dma_start3A_315] : memref<32x4x128xi32, #tpu.memory_space<hbm>> -> memref<1x4x128xi32, #tpu.memory_space<hbm>>
      %dma_start3A_317 = tpu.memref_squeeze %dma_start3A_316 : memref<1x4x128xi32, #tpu.memory_space<hbm>> -> memref<4x128xi32, #tpu.memory_space<hbm>>
      %dma_start3A_318 = arith.constant 0 : i32
      %dma_start3A_319 = arith.constant 0 : i32
      %dma_start3A_320 = tpu.memref_slice %arg2[%add3A, %dma_start3A_318, %dma_start3A_319] : memref<32x4x128xi32, #tpu.memory_space<hbm>> -> memref<1x4x128xi32, #tpu.memory_space<hbm>>
      %dma_start3A_321 = tpu.memref_squeeze %dma_start3A_320 : memref<1x4x128xi32, #tpu.memory_space<hbm>> -> memref<4x128xi32, #tpu.memory_space<hbm>>
      tpu.enqueue_dma source(%dma_start3A_321 : memref<4x128xi32, #tpu.memory_space<hbm>>) target(%arg8 : memref<4x128xi32, #tpu.memory_space<vmem>>) target_semaphore(%run_scoped3A : memref<!tpu.dma_semaphore, #tpu.memory_space<semaphore_mem>>)
      %dma_wait3A_322 = arith.constant 0 : i32
      %dma_wait3A_323 = arith.constant 0 : i32
      %dma_wait3A_324 = tpu.memref_slice %arg2[%add3A, %dma_wait3A_322, %dma_wait3A_323] : memref<32x4x128xi32, #tpu.memory_space<hbm>> -> memref<1x4x128xi32, #tpu.memory_space<hbm>>
      %dma_wait3A_325 = tpu.memref_squeeze %dma_wait3A_324 : memref<1x4x128xi32, #tpu.memory_space<hbm>> -> memref<4x128xi32, #tpu.memory_space<hbm>>
      %dma_wait3A_326 = arith.constant 0 : i32
      %dma_wait3A_327 = arith.constant 0 : i32
      %dma_wait3A_328 = tpu.memref_slice %arg2[%add3A, %dma_wait3A_326, %dma_wait3A_327] : memref<32x4x128xi32, #tpu.memory_space<hbm>> -> memref<1x4x128xi32, #tpu.memory_space<hbm>>
      %dma_wait3A_329 = tpu.memref_squeeze %dma_wait3A_328 : memref<1x4x128xi32, #tpu.memory_space<hbm>> -> memref<4x128xi32, #tpu.memory_space<hbm>>
      tpu.wait_dma2 semaphore(%run_scoped3A : memref<!tpu.dma_semaphore, #tpu.memory_space<semaphore_mem>>) src(%dma_wait3A_329 : memref<4x128xi32, #tpu.memory_space<hbm>>) dst(%arg8 : memref<4x128xi32, #tpu.memory_space<vmem>>)
      tpu.yield
    }) : () -> ()
    "tpu.region"() ({
      %run_scoped3A = tpu.sem_alloc : memref<!tpu.dma_semaphore, #tpu.memory_space<semaphore_mem>>
      %dma_start3A_314 = arith.constant 0 : i32
      %dma_start3A_315 = arith.constant 0 : i32
      %dma_start3A_316 = tpu.memref_slice %arg3[%add3A, %dma_start3A_314, %dma_start3A_315] : memref<32x4x128xi32, #tpu.memory_space<hbm>> -> memref<1x4x128xi32, #tpu.memory_space<hbm>>
      %dma_start3A_317 = tpu.memref_squeeze %dma_start3A_316 : memref<1x4x128xi32, #tpu.memory_space<hbm>> -> memref<4x128xi32, #tpu.memory_space<hbm>>
      %dma_start3A_318 = arith.constant 0 : i32
      %dma_start3A_319 = arith.constant 0 : i32
      %dma_start3A_320 = tpu.memref_slice %arg3[%add3A, %dma_start3A_318, %dma_start3A_319] : memref<32x4x128xi32, #tpu.memory_space<hbm>> -> memref<1x4x128xi32, #tpu.memory_space<hbm>>
      %dma_start3A_321 = tpu.memref_squeeze %dma_start3A_320 : memref<1x4x128xi32, #tpu.memory_space<hbm>> -> memref<4x128xi32, #tpu.memory_space<hbm>>
      tpu.enqueue_dma source(%dma_start3A_321 : memref<4x128xi32, #tpu.memory_space<hbm>>) target(%arg9 : memref<4x128xi32, #tpu.memory_space<vmem>>) target_semaphore(%run_scoped3A : memref<!tpu.dma_semaphore, #tpu.memory_space<semaphore_mem>>)
      %dma_wait3A_322 = arith.constant 0 : i32
      %dma_wait3A_323 = arith.constant 0 : i32
      %dma_wait3A_324 = tpu.memref_slice %arg3[%add3A, %dma_wait3A_322, %dma_wait3A_323] : memref<32x4x128xi32, #tpu.memory_space<hbm>> -> memref<1x4x128xi32, #tpu.memory_space<hbm>>
      %dma_wait3A_325 = tpu.memref_squeeze %dma_wait3A_324 : memref<1x4x128xi32, #tpu.memory_space<hbm>> -> memref<4x128xi32, #tpu.memory_space<hbm>>
      %dma_wait3A_326 = arith.constant 0 : i32
      %dma_wait3A_327 = arith.constant 0 : i32
      %dma_wait3A_328 = tpu.memref_slice %arg3[%add3A, %dma_wait3A_326, %dma_wait3A_327] : memref<32x4x128xi32, #tpu.memory_space<hbm>> -> memref<1x4x128xi32, #tpu.memory_space<hbm>>
      %dma_wait3A_329 = tpu.memref_squeeze %dma_wait3A_328 : memref<1x4x128xi32, #tpu.memory_space<hbm>> -> memref<4x128xi32, #tpu.memory_space<hbm>>
      tpu.wait_dma2 semaphore(%run_scoped3A : memref<!tpu.dma_semaphore, #tpu.memory_space<semaphore_mem>>) src(%dma_wait3A_329 : memref<4x128xi32, #tpu.memory_space<hbm>>) dst(%arg9 : memref<4x128xi32, #tpu.memory_space<vmem>>)
      tpu.yield
    }) : () -> ()
    "tpu.region"() ({
      %run_scoped3A = tpu.sem_alloc : memref<!tpu.dma_semaphore, #tpu.memory_space<semaphore_mem>>
      %dma_start3A_314 = arith.constant 0 : i32
      %dma_start3A_315 = arith.constant 0 : i32
      %dma_start3A_316 = tpu.memref_slice %arg4[%add3A, %dma_start3A_314, %dma_start3A_315] : memref<32x4x128xi32, #tpu.memory_space<hbm>> -> memref<1x4x128xi32, #tpu.memory_space<hbm>>
      %dma_start3A_317 = tpu.memref_squeeze %dma_start3A_316 : memref<1x4x128xi32, #tpu.memory_space<hbm>> -> memref<4x128xi32, #tpu.memory_space<hbm>>
      %dma_start3A_318 = arith.constant 0 : i32
      %dma_start3A_319 = arith.constant 0 : i32
      %dma_start3A_320 = tpu.memref_slice %arg4[%add3A, %dma_start3A_318, %dma_start3A_319] : memref<32x4x128xi32, #tpu.memory_space<hbm>> -> memref<1x4x128xi32, #tpu.memory_space<hbm>>
      %dma_start3A_321 = tpu.memref_squeeze %dma_start3A_320 : memref<1x4x128xi32, #tpu.memory_space<hbm>> -> memref<4x128xi32, #tpu.memory_space<hbm>>
      tpu.enqueue_dma source(%dma_start3A_321 : memref<4x128xi32, #tpu.memory_space<hbm>>) target(%arg10 : memref<4x128xi32, #tpu.memory_space<vmem>>) target_semaphore(%run_scoped3A : memref<!tpu.dma_semaphore, #tpu.memory_space<semaphore_mem>>)
      %dma_wait3A_322 = arith.constant 0 : i32
      %dma_wait3A_323 = arith.constant 0 : i32
      %dma_wait3A_324 = tpu.memref_slice %arg4[%add3A, %dma_wait3A_322, %dma_wait3A_323] : memref<32x4x128xi32, #tpu.memory_space<hbm>> -> memref<1x4x128xi32, #tpu.memory_space<hbm>>
      %dma_wait3A_325 = tpu.memref_squeeze %dma_wait3A_324 : memref<1x4x128xi32, #tpu.memory_space<hbm>> -> memref<4x128xi32, #tpu.memory_space<hbm>>
      %dma_wait3A_326 = arith.constant 0 : i32
      %dma_wait3A_327 = arith.constant 0 : i32
      %dma_wait3A_328 = tpu.memref_slice %arg4[%add3A, %dma_wait3A_326, %dma_wait3A_327] : memref<32x4x128xi32, #tpu.memory_space<hbm>> -> memref<1x4x128xi32, #tpu.memory_space<hbm>>
      %dma_wait3A_329 = tpu.memref_squeeze %dma_wait3A_328 : memref<1x4x128xi32, #tpu.memory_space<hbm>> -> memref<4x128xi32, #tpu.memory_space<hbm>>
      tpu.wait_dma2 semaphore(%run_scoped3A : memref<!tpu.dma_semaphore, #tpu.memory_space<semaphore_mem>>) src(%dma_wait3A_329 : memref<4x128xi32, #tpu.memory_space<hbm>>) dst(%arg10 : memref<4x128xi32, #tpu.memory_space<vmem>>)
      tpu.yield
    }) : () -> ()
    %broadcast_in_dim3A = arith.constant 0.000000e+00 : f32
    %broadcast_in_dim3A_1 = vector.broadcast %broadcast_in_dim3A : f32 to vector<16xf32>
    %dma_start3A = arith.constant 0 : i32
    %dma_start3A_2 = arith.constant 0 : i32
    %dma_start3A_3 = arith.constant 0 : i32
    %dma_start3A_4 = arith.constant 0 : i32
    %dma_start3A_5 = tpu.memref_slice %arg11[%dma_start3A_2, %dma_start3A_3, %dma_start3A_4] : memref<2x128x128xf32, #tpu.memory_space<vmem>> -> memref<1x128x128xf32, #tpu.memory_space<vmem>>
    %dma_start3A_6 = tpu.memref_squeeze %dma_start3A_5 : memref<1x128x128xf32, #tpu.memory_space<vmem>> -> memref<128x128xf32, #tpu.memory_space<vmem>>
    %dma_start3A_7 = arith.constant 0 : i32
    %dma_start3A_8 = tpu.memref_slice %arg8[%dma_start3A, %dma_start3A_7] : memref<4x128xi32, #tpu.memory_space<vmem>> -> memref<1x128xi32, #tpu.memory_space<vmem>>
    %dma_start3A_9 = tpu.memref_squeeze %dma_start3A_8 : memref<1x128xi32, #tpu.memory_space<vmem>> -> memref<128xi32, #tpu.memory_space<vmem>>
    %dma_start3A_10 = arith.constant 0 : i32
    %dma_start3A_11 = arith.constant 0 : i32
    %dma_start3A_12 = tpu.memref_slice %arg5[%dma_start3A_10, %dma_start3A_11] : memref<14951x128xf32, #tpu.memory_space<hbm>> -> memref<14951x128xf32, #tpu.memory_space<hbm>>
    tpu.enqueue_indirect_dma source(%dma_start3A_12 : memref<14951x128xf32, #tpu.memory_space<hbm>>) target(%dma_start3A_6 : memref<128x128xf32, #tpu.memory_space<vmem>>) offsets(%dma_start3A_9 : memref<128xi32, #tpu.memory_space<vmem>>) semaphore(%arg15 : memref<!tpu.dma_semaphore, #tpu.memory_space<semaphore_mem>>)
    %dma_start3A_13 = arith.constant 0 : i32
    %dma_start3A_14 = arith.constant 0 : i32
    %dma_start3A_15 = arith.constant 0 : i32
    %dma_start3A_16 = arith.constant 0 : i32
    %dma_start3A_17 = tpu.memref_slice %arg12[%dma_start3A_14, %dma_start3A_15, %dma_start3A_16] : memref<2x128x128xf32, #tpu.memory_space<vmem>> -> memref<1x128x128xf32, #tpu.memory_space<vmem>>
    %dma_start3A_18 = tpu.memref_squeeze %dma_start3A_17 : memref<1x128x128xf32, #tpu.memory_space<vmem>> -> memref<128x128xf32, #tpu.memory_space<vmem>>
    %dma_start3A_19 = arith.constant 0 : i32
    %dma_start3A_20 = tpu.memref_slice %arg9[%dma_start3A_13, %dma_start3A_19] : memref<4x128xi32, #tpu.memory_space<vmem>> -> memref<1x128xi32, #tpu.memory_space<vmem>>
    %dma_start3A_21 = tpu.memref_squeeze %dma_start3A_20 : memref<1x128xi32, #tpu.memory_space<vmem>> -> memref<128xi32, #tpu.memory_space<vmem>>
    %dma_start3A_22 = arith.constant 0 : i32
    %dma_start3A_23 = arith.constant 0 : i32
    %dma_start3A_24 = tpu.memref_slice %arg6[%dma_start3A_22, %dma_start3A_23] : memref<1345x128xf32, #tpu.memory_space<hbm>> -> memref<1345x128xf32, #tpu.memory_space<hbm>>
    tpu.enqueue_indirect_dma source(%dma_start3A_24 : memref<1345x128xf32, #tpu.memory_space<hbm>>) target(%dma_start3A_18 : memref<128x128xf32, #tpu.memory_space<vmem>>) offsets(%dma_start3A_21 : memref<128xi32, #tpu.memory_space<vmem>>) semaphore(%arg15 : memref<!tpu.dma_semaphore, #tpu.memory_space<semaphore_mem>>)
    %dma_start3A_25 = arith.constant 0 : i32
    %dma_start3A_26 = arith.constant 0 : i32
    %dma_start3A_27 = arith.constant 0 : i32
    %dma_start3A_28 = arith.constant 0 : i32
    %dma_start3A_29 = tpu.memref_slice %arg13[%dma_start3A_26, %dma_start3A_27, %dma_start3A_28] : memref<2x128x128xf32, #tpu.memory_space<vmem>> -> memref<1x128x128xf32, #tpu.memory_space<vmem>>
    %dma_start3A_30 = tpu.memref_squeeze %dma_start3A_29 : memref<1x128x128xf32, #tpu.memory_space<vmem>> -> memref<128x128xf32, #tpu.memory_space<vmem>>
    %dma_start3A_31 = arith.constant 0 : i32
    %dma_start3A_32 = tpu.memref_slice %arg10[%dma_start3A_25, %dma_start3A_31] : memref<4x128xi32, #tpu.memory_space<vmem>> -> memref<1x128xi32, #tpu.memory_space<vmem>>
    %dma_start3A_33 = tpu.memref_squeeze %dma_start3A_32 : memref<1x128xi32, #tpu.memory_space<vmem>> -> memref<128xi32, #tpu.memory_space<vmem>>
    %dma_start3A_34 = arith.constant 0 : i32
    %dma_start3A_35 = arith.constant 0 : i32
    %dma_start3A_36 = tpu.memref_slice %arg5[%dma_start3A_34, %dma_start3A_35] : memref<14951x128xf32, #tpu.memory_space<hbm>> -> memref<14951x128xf32, #tpu.memory_space<hbm>>
    tpu.enqueue_indirect_dma source(%dma_start3A_36 : memref<14951x128xf32, #tpu.memory_space<hbm>>) target(%dma_start3A_30 : memref<128x128xf32, #tpu.memory_space<vmem>>) offsets(%dma_start3A_33 : memref<128xi32, #tpu.memory_space<vmem>>) semaphore(%arg15 : memref<!tpu.dma_semaphore, #tpu.memory_space<semaphore_mem>>)
    %dma_wait3A = arith.constant 0 : i32
    %dma_wait3A_37 = arith.constant 0 : i32
    %dma_wait3A_38 = arith.constant 0 : i32
    %dma_wait3A_39 = arith.constant 0 : i32
    %dma_wait3A_40 = tpu.memref_slice %arg11[%dma_wait3A_37, %dma_wait3A_38, %dma_wait3A_39] : memref<2x128x128xf32, #tpu.memory_space<vmem>> -> memref<1x128x128xf32, #tpu.memory_space<vmem>>
    %dma_wait3A_41 = tpu.memref_squeeze %dma_wait3A_40 : memref<1x128x128xf32, #tpu.memory_space<vmem>> -> memref<128x128xf32, #tpu.memory_space<vmem>>
    %dma_wait3A_42 = arith.constant 0 : i32
    %dma_wait3A_43 = tpu.memref_slice %arg8[%dma_wait3A, %dma_wait3A_42] : memref<4x128xi32, #tpu.memory_space<vmem>> -> memref<1x128xi32, #tpu.memory_space<vmem>>
    %dma_wait3A_44 = tpu.memref_squeeze %dma_wait3A_43 : memref<1x128xi32, #tpu.memory_space<vmem>> -> memref<128xi32, #tpu.memory_space<vmem>>
    %dma_wait3A_45 = arith.constant 0 : i32
    %dma_wait3A_46 = arith.constant 0 : i32
    %dma_wait3A_47 = tpu.memref_slice %arg5[%dma_wait3A_45, %dma_wait3A_46] : memref<14951x128xf32, #tpu.memory_space<hbm>> -> memref<14951x128xf32, #tpu.memory_space<hbm>>
    tpu.wait_indirect_dma semaphore(%arg15 : memref<!tpu.dma_semaphore, #tpu.memory_space<semaphore_mem>>) src(%dma_wait3A_47 : memref<14951x128xf32, #tpu.memory_space<hbm>>) dst(%dma_wait3A_41 : memref<128x128xf32, #tpu.memory_space<vmem>>)
    %dma_wait3A_48 = arith.constant 0 : i32
    %dma_wait3A_49 = arith.constant 0 : i32
    %dma_wait3A_50 = arith.constant 0 : i32
    %dma_wait3A_51 = arith.constant 0 : i32
    %dma_wait3A_52 = tpu.memref_slice %arg12[%dma_wait3A_49, %dma_wait3A_50, %dma_wait3A_51] : memref<2x128x128xf32, #tpu.memory_space<vmem>> -> memref<1x128x128xf32, #tpu.memory_space<vmem>>
    %dma_wait3A_53 = tpu.memref_squeeze %dma_wait3A_52 : memref<1x128x128xf32, #tpu.memory_space<vmem>> -> memref<128x128xf32, #tpu.memory_space<vmem>>
    %dma_wait3A_54 = arith.constant 0 : i32
    %dma_wait3A_55 = tpu.memref_slice %arg9[%dma_wait3A_48, %dma_wait3A_54] : memref<4x128xi32, #tpu.memory_space<vmem>> -> memref<1x128xi32, #tpu.memory_space<vmem>>
    %dma_wait3A_56 = tpu.memref_squeeze %dma_wait3A_55 : memref<1x128xi32, #tpu.memory_space<vmem>> -> memref<128xi32, #tpu.memory_space<vmem>>
    %dma_wait3A_57 = arith.constant 0 : i32
    %dma_wait3A_58 = arith.constant 0 : i32
    %dma_wait3A_59 = tpu.memref_slice %arg6[%dma_wait3A_57, %dma_wait3A_58] : memref<1345x128xf32, #tpu.memory_space<hbm>> -> memref<1345x128xf32, #tpu.memory_space<hbm>>
    tpu.wait_indirect_dma semaphore(%arg15 : memref<!tpu.dma_semaphore, #tpu.memory_space<semaphore_mem>>) src(%dma_wait3A_59 : memref<1345x128xf32, #tpu.memory_space<hbm>>) dst(%dma_wait3A_53 : memref<128x128xf32, #tpu.memory_space<vmem>>)
    %dma_wait3A_60 = arith.constant 0 : i32
    %dma_wait3A_61 = arith.constant 0 : i32
    %dma_wait3A_62 = arith.constant 0 : i32
    %dma_wait3A_63 = arith.constant 0 : i32
    %dma_wait3A_64 = tpu.memref_slice %arg13[%dma_wait3A_61, %dma_wait3A_62, %dma_wait3A_63] : memref<2x128x128xf32, #tpu.memory_space<vmem>> -> memref<1x128x128xf32, #tpu.memory_space<vmem>>
    %dma_wait3A_65 = tpu.memref_squeeze %dma_wait3A_64 : memref<1x128x128xf32, #tpu.memory_space<vmem>> -> memref<128x128xf32, #tpu.memory_space<vmem>>
    %dma_wait3A_66 = arith.constant 0 : i32
    %dma_wait3A_67 = tpu.memref_slice %arg10[%dma_wait3A_60, %dma_wait3A_66] : memref<4x128xi32, #tpu.memory_space<vmem>> -> memref<1x128xi32, #tpu.memory_space<vmem>>
    %dma_wait3A_68 = tpu.memref_squeeze %dma_wait3A_67 : memref<1x128xi32, #tpu.memory_space<vmem>> -> memref<128xi32, #tpu.memory_space<vmem>>
    %dma_wait3A_69 = arith.constant 0 : i32
    %dma_wait3A_70 = arith.constant 0 : i32
    %dma_wait3A_71 = tpu.memref_slice %arg5[%dma_wait3A_69, %dma_wait3A_70] : memref<14951x128xf32, #tpu.memory_space<hbm>> -> memref<14951x128xf32, #tpu.memory_space<hbm>>
    tpu.wait_indirect_dma semaphore(%arg15 : memref<!tpu.dma_semaphore, #tpu.memory_space<semaphore_mem>>) src(%dma_wait3A_71 : memref<14951x128xf32, #tpu.memory_space<hbm>>) dst(%dma_wait3A_65 : memref<128x128xf32, #tpu.memory_space<vmem>>)
    %dma_start3A_72 = arith.constant 1 : i32
    %dma_start3A_73 = arith.constant 1 : i32
    %dma_start3A_74 = arith.constant 0 : i32
    %dma_start3A_75 = arith.constant 0 : i32
    %dma_start3A_76 = tpu.memref_slice %arg11[%dma_start3A_73, %dma_start3A_74, %dma_start3A_75] : memref<2x128x128xf32, #tpu.memory_space<vmem>> -> memref<1x128x128xf32, #tpu.memory_space<vmem>>
    %dma_start3A_77 = tpu.memref_squeeze %dma_start3A_76 : memref<1x128x128xf32, #tpu.memory_space<vmem>> -> memref<128x128xf32, #tpu.memory_space<vmem>>
    %dma_start3A_78 = arith.constant 0 : i32
    %dma_start3A_79 = tpu.memref_slice %arg8[%dma_start3A_72, %dma_start3A_78] : memref<4x128xi32, #tpu.memory_space<vmem>> -> memref<1x128xi32, #tpu.memory_space<vmem>>
    %dma_start3A_80 = tpu.memref_squeeze %dma_start3A_79 : memref<1x128xi32, #tpu.memory_space<vmem>> -> memref<128xi32, #tpu.memory_space<vmem>>
    %dma_start3A_81 = arith.constant 0 : i32
    %dma_start3A_82 = arith.constant 0 : i32
    %dma_start3A_83 = tpu.memref_slice %arg5[%dma_start3A_81, %dma_start3A_82] : memref<14951x128xf32, #tpu.memory_space<hbm>> -> memref<14951x128xf32, #tpu.memory_space<hbm>>
    tpu.enqueue_indirect_dma source(%dma_start3A_83 : memref<14951x128xf32, #tpu.memory_space<hbm>>) target(%dma_start3A_77 : memref<128x128xf32, #tpu.memory_space<vmem>>) offsets(%dma_start3A_80 : memref<128xi32, #tpu.memory_space<vmem>>) semaphore(%arg16 : memref<!tpu.dma_semaphore, #tpu.memory_space<semaphore_mem>>)
    %dma_start3A_84 = arith.constant 1 : i32
    %dma_start3A_85 = arith.constant 1 : i32
    %dma_start3A_86 = arith.constant 0 : i32
    %dma_start3A_87 = arith.constant 0 : i32
    %dma_start3A_88 = tpu.memref_slice %arg12[%dma_start3A_85, %dma_start3A_86, %dma_start3A_87] : memref<2x128x128xf32, #tpu.memory_space<vmem>> -> memref<1x128x128xf32, #tpu.memory_space<vmem>>
    %dma_start3A_89 = tpu.memref_squeeze %dma_start3A_88 : memref<1x128x128xf32, #tpu.memory_space<vmem>> -> memref<128x128xf32, #tpu.memory_space<vmem>>
    %dma_start3A_90 = arith.constant 0 : i32
    %dma_start3A_91 = tpu.memref_slice %arg9[%dma_start3A_84, %dma_start3A_90] : memref<4x128xi32, #tpu.memory_space<vmem>> -> memref<1x128xi32, #tpu.memory_space<vmem>>
    %dma_start3A_92 = tpu.memref_squeeze %dma_start3A_91 : memref<1x128xi32, #tpu.memory_space<vmem>> -> memref<128xi32, #tpu.memory_space<vmem>>
    %dma_start3A_93 = arith.constant 0 : i32
    %dma_start3A_94 = arith.constant 0 : i32
    %dma_start3A_95 = tpu.memref_slice %arg6[%dma_start3A_93, %dma_start3A_94] : memref<1345x128xf32, #tpu.memory_space<hbm>> -> memref<1345x128xf32, #tpu.memory_space<hbm>>
    tpu.enqueue_indirect_dma source(%dma_start3A_95 : memref<1345x128xf32, #tpu.memory_space<hbm>>) target(%dma_start3A_89 : memref<128x128xf32, #tpu.memory_space<vmem>>) offsets(%dma_start3A_92 : memref<128xi32, #tpu.memory_space<vmem>>) semaphore(%arg16 : memref<!tpu.dma_semaphore, #tpu.memory_space<semaphore_mem>>)
    %dma_start3A_96 = arith.constant 1 : i32
    %dma_start3A_97 = arith.constant 1 : i32
    %dma_start3A_98 = arith.constant 0 : i32
    %dma_start3A_99 = arith.constant 0 : i32
    %dma_start3A_100 = tpu.memref_slice %arg13[%dma_start3A_97, %dma_start3A_98, %dma_start3A_99] : memref<2x128x128xf32, #tpu.memory_space<vmem>> -> memref<1x128x128xf32, #tpu.memory_space<vmem>>
    %dma_start3A_101 = tpu.memref_squeeze %dma_start3A_100 : memref<1x128x128xf32, #tpu.memory_space<vmem>> -> memref<128x128xf32, #tpu.memory_space<vmem>>
    %dma_start3A_102 = arith.constant 0 : i32
    %dma_start3A_103 = tpu.memref_slice %arg10[%dma_start3A_96, %dma_start3A_102] : memref<4x128xi32, #tpu.memory_space<vmem>> -> memref<1x128xi32, #tpu.memory_space<vmem>>
    %dma_start3A_104 = tpu.memref_squeeze %dma_start3A_103 : memref<1x128xi32, #tpu.memory_space<vmem>> -> memref<128xi32, #tpu.memory_space<vmem>>
    %dma_start3A_105 = arith.constant 0 : i32
    %dma_start3A_106 = arith.constant 0 : i32
    %dma_start3A_107 = tpu.memref_slice %arg5[%dma_start3A_105, %dma_start3A_106] : memref<14951x128xf32, #tpu.memory_space<hbm>> -> memref<14951x128xf32, #tpu.memory_space<hbm>>
    tpu.enqueue_indirect_dma source(%dma_start3A_107 : memref<14951x128xf32, #tpu.memory_space<hbm>>) target(%dma_start3A_101 : memref<128x128xf32, #tpu.memory_space<vmem>>) offsets(%dma_start3A_104 : memref<128xi32, #tpu.memory_space<vmem>>) semaphore(%arg16 : memref<!tpu.dma_semaphore, #tpu.memory_space<semaphore_mem>>)
    %scan3A = arith.constant 0 : i32
    %scan3A_108 = arith.constant 128 : i32
    %scan3A_109 = arith.addi %scan3A, %scan3A_108 : i32
    %scan3A_110 = arith.constant 1 : i32
    %scan3A_111 = scf.for %scan3A_314 = %scan3A to %scan3A_109 step %scan3A_110 iter_args(%scan3A_315 = %broadcast_in_dim3A_1) -> (vector<16xf32>)  : i32 {
      %get3A = arith.constant 0 : i32
      %get3A_316 = arith.index_cast %get3A : i32 to index
      %get3A_317 = arith.index_cast %scan3A_314 : i32 to index
      %get3A_318 = arith.constant 0 : index
      %get3A_319 = tpu.vector_load %arg11[%get3A_316, %get3A_317, %get3A_318] {strides = array<i32>} : memref<2x128x128xf32, #tpu.memory_space<vmem>>, vector<1x1x16xf32>,
      %get3A_320 = vector.shape_cast %get3A_319 : vector<1x1x16xf32> to vector<16xf32>
      %get3A_321 = arith.constant 0 : i32
      %get3A_322 = arith.index_cast %get3A_321 : i32 to index
      %get3A_323 = arith.index_cast %scan3A_314 : i32 to index
      %get3A_324 = arith.constant 0 : index
      %get3A_325 = tpu.vector_load %arg12[%get3A_322, %get3A_323, %get3A_324] {strides = array<i32>} : memref<2x128x128xf32, #tpu.memory_space<vmem>>, vector<1x1x16xf32>,
      %get3A_326 = vector.shape_cast %get3A_325 : vector<1x1x16xf32> to vector<16xf32>
      %add3A_327 = arith.addf %get3A_320, %get3A_326 : vector<16xf32>
      %get3A_328 = arith.constant 0 : i32
      %get3A_329 = arith.index_cast %get3A_328 : i32 to index
      %get3A_330 = arith.index_cast %scan3A_314 : i32 to index
      %get3A_331 = arith.constant 0 : index
      %get3A_332 = tpu.vector_load %arg13[%get3A_329, %get3A_330, %get3A_331] {strides = array<i32>} : memref<2x128x128xf32, #tpu.memory_space<vmem>>, vector<1x1x16xf32>,
      %get3A_333 = vector.shape_cast %get3A_332 : vector<1x1x16xf32> to vector<16xf32>
      %sub3A = arith.subf %add3A_327, %get3A_333 : vector<16xf32>
      %abs3A = math.absf %sub3A : vector<16xf32>
      %add3A_334 = arith.addf %scan3A_315, %abs3A : vector<16xf32>
      %get3A_335 = arith.constant 0 : i32
      %get3A_336 = arith.index_cast %get3A_335 : i32 to index
      %get3A_337 = arith.index_cast %scan3A_314 : i32 to index
      %get3A_338 = arith.constant 16 : index
      %get3A_339 = tpu.vector_load %arg11[%get3A_336, %get3A_337, %get3A_338] {strides = array<i32>} : memref<2x128x128xf32, #tpu.memory_space<vmem>>, vector<1x1x16xf32>,
      %get3A_340 = vector.shape_cast %get3A_339 : vector<1x1x16xf32> to vector<16xf32>
      %get3A_341 = arith.constant 0 : i32
      %get3A_342 = arith.index_cast %get3A_341 : i32 to index
      %get3A_343 = arith.index_cast %scan3A_314 : i32 to index
      %get3A_344 = arith.constant 16 : index
      %get3A_345 = tpu.vector_load %arg12[%get3A_342, %get3A_343, %get3A_344] {strides = array<i32>} : memref<2x128x128xf32, #tpu.memory_space<vmem>>, vector<1x1x16xf32>,
      %get3A_346 = vector.shape_cast %get3A_345 : vector<1x1x16xf32> to vector<16xf32>
      %add3A_347 = arith.addf %get3A_340, %get3A_346 : vector<16xf32>
      %get3A_348 = arith.constant 0 : i32
      %get3A_349 = arith.index_cast %get3A_348 : i32 to index
      %get3A_350 = arith.index_cast %scan3A_314 : i32 to index
      %get3A_351 = arith.constant 16 : index
      %get3A_352 = tpu.vector_load %arg13[%get3A_349, %get3A_350, %get3A_351] {strides = array<i32>} : memref<2x128x128xf32, #tpu.memory_space<vmem>>, vector<1x1x16xf32>,
      %get3A_353 = vector.shape_cast %get3A_352 : vector<1x1x16xf32> to vector<16xf32>
      %sub3A_354 = arith.subf %add3A_347, %get3A_353 : vector<16xf32>
      %abs3A_355 = math.absf %sub3A_354 : vector<16xf32>
      %add3A_356 = arith.addf %add3A_334, %abs3A_355 : vector<16xf32>
      %get3A_357 = arith.constant 0 : i32
      %get3A_358 = arith.index_cast %get3A_357 : i32 to index
      %get3A_359 = arith.index_cast %scan3A_314 : i32 to index
      %get3A_360 = arith.constant 32 : index
      %get3A_361 = tpu.vector_load %arg11[%get3A_358, %get3A_359, %get3A_360] {strides = array<i32>} : memref<2x128x128xf32, #tpu.memory_space<vmem>>, vector<1x1x16xf32>,
      %get3A_362 = vector.shape_cast %get3A_361 : vector<1x1x16xf32> to vector<16xf32>
      %get3A_363 = arith.constant 0 : i32
      %get3A_364 = arith.index_cast %get3A_363 : i32 to index
      %get3A_365 = arith.index_cast %scan3A_314 : i32 to index
      %get3A_366 = arith.constant 32 : index
      %get3A_367 = tpu.vector_load %arg12[%get3A_364, %get3A_365, %get3A_366] {strides = array<i32>} : memref<2x128x128xf32, #tpu.memory_space<vmem>>, vector<1x1x16xf32>,
      %get3A_368 = vector.shape_cast %get3A_367 : vector<1x1x16xf32> to vector<16xf32>
      %add3A_369 = arith.addf %get3A_362, %get3A_368 : vector<16xf32>
      %get3A_370 = arith.constant 0 : i32
      %get3A_371 = arith.index_cast %get3A_370 : i32 to index
      %get3A_372 = arith.index_cast %scan3A_314 : i32 to index
      %get3A_373 = arith.constant 32 : index
      %get3A_374 = tpu.vector_load %arg13[%get3A_371, %get3A_372, %get3A_373] {strides = array<i32>} : memref<2x128x128xf32, #tpu.memory_space<vmem>>, vector<1x1x16xf32>,
      %get3A_375 = vector.shape_cast %get3A_374 : vector<1x1x16xf32> to vector<16xf32>
      %sub3A_376 = arith.subf %add3A_369, %get3A_375 : vector<16xf32>
      %abs3A_377 = math.absf %sub3A_376 : vector<16xf32>
      %add3A_378 = arith.addf %add3A_356, %abs3A_377 : vector<16xf32>
      %get3A_379 = arith.constant 0 : i32
      %get3A_380 = arith.index_cast %get3A_379 : i32 to index
      %get3A_381 = arith.index_cast %scan3A_314 : i32 to index
      %get3A_382 = arith.constant 48 : index
      %get3A_383 = tpu.vector_load %arg11[%get3A_380, %get3A_381, %get3A_382] {strides = array<i32>} : memref<2x128x128xf32, #tpu.memory_space<vmem>>, vector<1x1x16xf32>,
      %get3A_384 = vector.shape_cast %get3A_383 : vector<1x1x16xf32> to vector<16xf32>
      %get3A_385 = arith.constant 0 : i32
      %get3A_386 = arith.index_cast %get3A_385 : i32 to index
      %get3A_387 = arith.index_cast %scan3A_314 : i32 to index
      %get3A_388 = arith.constant 48 : index
      %get3A_389 = tpu.vector_load %arg12[%get3A_386, %get3A_387, %get3A_388] {strides = array<i32>} : memref<2x128x128xf32, #tpu.memory_space<vmem>>, vector<1x1x16xf32>,
      %get3A_390 = vector.shape_cast %get3A_389 : vector<1x1x16xf32> to vector<16xf32>
      %add3A_391 = arith.addf %get3A_384, %get3A_390 : vector<16xf32>
      %get3A_392 = arith.constant 0 : i32
      %get3A_393 = arith.index_cast %get3A_392 : i32 to index
      %get3A_394 = arith.index_cast %scan3A_314 : i32 to index
      %get3A_395 = arith.constant 48 : index
      %get3A_396 = tpu.vector_load %arg13[%get3A_393, %get3A_394, %get3A_395] {strides = array<i32>} : memref<2x128x128xf32, #tpu.memory_space<vmem>>, vector<1x1x16xf32>,
      %get3A_397 = vector.shape_cast %get3A_396 : vector<1x1x16xf32> to vector<16xf32>
      %sub3A_398 = arith.subf %add3A_391, %get3A_397 : vector<16xf32>
      %abs3A_399 = math.absf %sub3A_398 : vector<16xf32>
      %add3A_400 = arith.addf %add3A_378, %abs3A_399 : vector<16xf32>
      scf.yield %add3A_400 : vector<16xf32>
    }
    %scan3A_112 = arith.constant 128 : i32
    %dma_wait3A_113 = arith.constant 1 : i32
    %dma_wait3A_114 = arith.constant 1 : i32
    %dma_wait3A_115 = arith.constant 0 : i32
    %dma_wait3A_116 = arith.constant 0 : i32
    %dma_wait3A_117 = tpu.memref_slice %arg11[%dma_wait3A_114, %dma_wait3A_115, %dma_wait3A_116] : memref<2x128x128xf32, #tpu.memory_space<vmem>> -> memref<1x128x128xf32, #tpu.memory_space<vmem>>
    %dma_wait3A_118 = tpu.memref_squeeze %dma_wait3A_117 : memref<1x128x128xf32, #tpu.memory_space<vmem>> -> memref<128x128xf32, #tpu.memory_space<vmem>>
    %dma_wait3A_119 = arith.constant 0 : i32
    %dma_wait3A_120 = tpu.memref_slice %arg8[%dma_wait3A_113, %dma_wait3A_119] : memref<4x128xi32, #tpu.memory_space<vmem>> -> memref<1x128xi32, #tpu.memory_space<vmem>>
    %dma_wait3A_121 = tpu.memref_squeeze %dma_wait3A_120 : memref<1x128xi32, #tpu.memory_space<vmem>> -> memref<128xi32, #tpu.memory_space<vmem>>
    %dma_wait3A_122 = arith.constant 0 : i32
    %dma_wait3A_123 = arith.constant 0 : i32
    %dma_wait3A_124 = tpu.memref_slice %arg5[%dma_wait3A_122, %dma_wait3A_123] : memref<14951x128xf32, #tpu.memory_space<hbm>> -> memref<14951x128xf32, #tpu.memory_space<hbm>>
    tpu.wait_indirect_dma semaphore(%arg16 : memref<!tpu.dma_semaphore, #tpu.memory_space<semaphore_mem>>) src(%dma_wait3A_124 : memref<14951x128xf32, #tpu.memory_space<hbm>>) dst(%dma_wait3A_118 : memref<128x128xf32, #tpu.memory_space<vmem>>)
    %dma_wait3A_125 = arith.constant 1 : i32
    %dma_wait3A_126 = arith.constant 1 : i32
    %dma_wait3A_127 = arith.constant 0 : i32
    %dma_wait3A_128 = arith.constant 0 : i32
    %dma_wait3A_129 = tpu.memref_slice %arg12[%dma_wait3A_126, %dma_wait3A_127, %dma_wait3A_128] : memref<2x128x128xf32, #tpu.memory_space<vmem>> -> memref<1x128x128xf32, #tpu.memory_space<vmem>>
    %dma_wait3A_130 = tpu.memref_squeeze %dma_wait3A_129 : memref<1x128x128xf32, #tpu.memory_space<vmem>> -> memref<128x128xf32, #tpu.memory_space<vmem>>
    %dma_wait3A_131 = arith.constant 0 : i32
    %dma_wait3A_132 = tpu.memref_slice %arg9[%dma_wait3A_125, %dma_wait3A_131] : memref<4x128xi32, #tpu.memory_space<vmem>> -> memref<1x128xi32, #tpu.memory_space<vmem>>
    %dma_wait3A_133 = tpu.memref_squeeze %dma_wait3A_132 : memref<1x128xi32, #tpu.memory_space<vmem>> -> memref<128xi32, #tpu.memory_space<vmem>>
    %dma_wait3A_134 = arith.constant 0 : i32
    %dma_wait3A_135 = arith.constant 0 : i32
    %dma_wait3A_136 = tpu.memref_slice %arg6[%dma_wait3A_134, %dma_wait3A_135] : memref<1345x128xf32, #tpu.memory_space<hbm>> -> memref<1345x128xf32, #tpu.memory_space<hbm>>
    tpu.wait_indirect_dma semaphore(%arg16 : memref<!tpu.dma_semaphore, #tpu.memory_space<semaphore_mem>>) src(%dma_wait3A_136 : memref<1345x128xf32, #tpu.memory_space<hbm>>) dst(%dma_wait3A_130 : memref<128x128xf32, #tpu.memory_space<vmem>>)
    %dma_wait3A_137 = arith.constant 1 : i32
    %dma_wait3A_138 = arith.constant 1 : i32
    %dma_wait3A_139 = arith.constant 0 : i32
    %dma_wait3A_140 = arith.constant 0 : i32
    %dma_wait3A_141 = tpu.memref_slice %arg13[%dma_wait3A_138, %dma_wait3A_139, %dma_wait3A_140] : memref<2x128x128xf32, #tpu.memory_space<vmem>> -> memref<1x128x128xf32, #tpu.memory_space<vmem>>
    %dma_wait3A_142 = tpu.memref_squeeze %dma_wait3A_141 : memref<1x128x128xf32, #tpu.memory_space<vmem>> -> memref<128x128xf32, #tpu.memory_space<vmem>>
    %dma_wait3A_143 = arith.constant 0 : i32
    %dma_wait3A_144 = tpu.memref_slice %arg10[%dma_wait3A_137, %dma_wait3A_143] : memref<4x128xi32, #tpu.memory_space<vmem>> -> memref<1x128xi32, #tpu.memory_space<vmem>>
    %dma_wait3A_145 = tpu.memref_squeeze %dma_wait3A_144 : memref<1x128xi32, #tpu.memory_space<vmem>> -> memref<128xi32, #tpu.memory_space<vmem>>
    %dma_wait3A_146 = arith.constant 0 : i32
    %dma_wait3A_147 = arith.constant 0 : i32
    %dma_wait3A_148 = tpu.memref_slice %arg5[%dma_wait3A_146, %dma_wait3A_147] : memref<14951x128xf32, #tpu.memory_space<hbm>> -> memref<14951x128xf32, #tpu.memory_space<hbm>>
    tpu.wait_indirect_dma semaphore(%arg16 : memref<!tpu.dma_semaphore, #tpu.memory_space<semaphore_mem>>) src(%dma_wait3A_148 : memref<14951x128xf32, #tpu.memory_space<hbm>>) dst(%dma_wait3A_142 : memref<128x128xf32, #tpu.memory_space<vmem>>)
    %dma_start3A_149 = arith.constant 2 : i32
    %dma_start3A_150 = arith.constant 0 : i32
    %dma_start3A_151 = arith.constant 0 : i32
    %dma_start3A_152 = arith.constant 0 : i32
    %dma_start3A_153 = tpu.memref_slice %arg11[%dma_start3A_150, %dma_start3A_151, %dma_start3A_152] : memref<2x128x128xf32, #tpu.memory_space<vmem>> -> memref<1x128x128xf32, #tpu.memory_space<vmem>>
    %dma_start3A_154 = tpu.memref_squeeze %dma_start3A_153 : memref<1x128x128xf32, #tpu.memory_space<vmem>> -> memref<128x128xf32, #tpu.memory_space<vmem>>
    %dma_start3A_155 = arith.constant 0 : i32
    %dma_start3A_156 = tpu.memref_slice %arg8[%dma_start3A_149, %dma_start3A_155] : memref<4x128xi32, #tpu.memory_space<vmem>> -> memref<1x128xi32, #tpu.memory_space<vmem>>
    %dma_start3A_157 = tpu.memref_squeeze %dma_start3A_156 : memref<1x128xi32, #tpu.memory_space<vmem>> -> memref<128xi32, #tpu.memory_space<vmem>>
    %dma_start3A_158 = arith.constant 0 : i32
    %dma_start3A_159 = arith.constant 0 : i32
    %dma_start3A_160 = tpu.memref_slice %arg5[%dma_start3A_158, %dma_start3A_159] : memref<14951x128xf32, #tpu.memory_space<hbm>> -> memref<14951x128xf32, #tpu.memory_space<hbm>>
    tpu.enqueue_indirect_dma source(%dma_start3A_160 : memref<14951x128xf32, #tpu.memory_space<hbm>>) target(%dma_start3A_154 : memref<128x128xf32, #tpu.memory_space<vmem>>) offsets(%dma_start3A_157 : memref<128xi32, #tpu.memory_space<vmem>>) semaphore(%arg15 : memref<!tpu.dma_semaphore, #tpu.memory_space<semaphore_mem>>)
    %dma_start3A_161 = arith.constant 2 : i32
    %dma_start3A_162 = arith.constant 0 : i32
    %dma_start3A_163 = arith.constant 0 : i32
    %dma_start3A_164 = arith.constant 0 : i32
    %dma_start3A_165 = tpu.memref_slice %arg12[%dma_start3A_162, %dma_start3A_163, %dma_start3A_164] : memref<2x128x128xf32, #tpu.memory_space<vmem>> -> memref<1x128x128xf32, #tpu.memory_space<vmem>>
    %dma_start3A_166 = tpu.memref_squeeze %dma_start3A_165 : memref<1x128x128xf32, #tpu.memory_space<vmem>> -> memref<128x128xf32, #tpu.memory_space<vmem>>
    %dma_start3A_167 = arith.constant 0 : i32
    %dma_start3A_168 = tpu.memref_slice %arg9[%dma_start3A_161, %dma_start3A_167] : memref<4x128xi32, #tpu.memory_space<vmem>> -> memref<1x128xi32, #tpu.memory_space<vmem>>
    %dma_start3A_169 = tpu.memref_squeeze %dma_start3A_168 : memref<1x128xi32, #tpu.memory_space<vmem>> -> memref<128xi32, #tpu.memory_space<vmem>>
    %dma_start3A_170 = arith.constant 0 : i32
    %dma_start3A_171 = arith.constant 0 : i32
    %dma_start3A_172 = tpu.memref_slice %arg6[%dma_start3A_170, %dma_start3A_171] : memref<1345x128xf32, #tpu.memory_space<hbm>> -> memref<1345x128xf32, #tpu.memory_space<hbm>>
    tpu.enqueue_indirect_dma source(%dma_start3A_172 : memref<1345x128xf32, #tpu.memory_space<hbm>>) target(%dma_start3A_166 : memref<128x128xf32, #tpu.memory_space<vmem>>) offsets(%dma_start3A_169 : memref<128xi32, #tpu.memory_space<vmem>>) semaphore(%arg15 : memref<!tpu.dma_semaphore, #tpu.memory_space<semaphore_mem>>)
    %dma_start3A_173 = arith.constant 2 : i32
    %dma_start3A_174 = arith.constant 0 : i32
    %dma_start3A_175 = arith.constant 0 : i32
    %dma_start3A_176 = arith.constant 0 : i32
    %dma_start3A_177 = tpu.memref_slice %arg13[%dma_start3A_174, %dma_start3A_175, %dma_start3A_176] : memref<2x128x128xf32, #tpu.memory_space<vmem>> -> memref<1x128x128xf32, #tpu.memory_space<vmem>>
    %dma_start3A_178 = tpu.memref_squeeze %dma_start3A_177 : memref<1x128x128xf32, #tpu.memory_space<vmem>> -> memref<128x128xf32, #tpu.memory_space<vmem>>
    %dma_start3A_179 = arith.constant 0 : i32
    %dma_start3A_180 = tpu.memref_slice %arg10[%dma_start3A_173, %dma_start3A_179] : memref<4x128xi32, #tpu.memory_space<vmem>> -> memref<1x128xi32, #tpu.memory_space<vmem>>
    %dma_start3A_181 = tpu.memref_squeeze %dma_start3A_180 : memref<1x128xi32, #tpu.memory_space<vmem>> -> memref<128xi32, #tpu.memory_space<vmem>>
    %dma_start3A_182 = arith.constant 0 : i32
    %dma_start3A_183 = arith.constant 0 : i32
    %dma_start3A_184 = tpu.memref_slice %arg5[%dma_start3A_182, %dma_start3A_183] : memref<14951x128xf32, #tpu.memory_space<hbm>> -> memref<14951x128xf32, #tpu.memory_space<hbm>>
    tpu.enqueue_indirect_dma source(%dma_start3A_184 : memref<14951x128xf32, #tpu.memory_space<hbm>>) target(%dma_start3A_178 : memref<128x128xf32, #tpu.memory_space<vmem>>) offsets(%dma_start3A_181 : memref<128xi32, #tpu.memory_space<vmem>>) semaphore(%arg15 : memref<!tpu.dma_semaphore, #tpu.memory_space<semaphore_mem>>)
    %scan3A_185 = arith.constant 0 : i32
    %scan3A_186 = arith.constant 128 : i32
    %scan3A_187 = arith.addi %scan3A_185, %scan3A_186 : i32
    %scan3A_188 = arith.constant 1 : i32
    %scan3A_189 = scf.for %scan3A_314 = %scan3A_185 to %scan3A_187 step %scan3A_188 iter_args(%scan3A_315 = %scan3A_111) -> (vector<16xf32>)  : i32 {
      %get3A = arith.constant 1 : i32
      %get3A_316 = arith.index_cast %get3A : i32 to index
      %get3A_317 = arith.index_cast %scan3A_314 : i32 to index
      %get3A_318 = arith.constant 0 : index
      %get3A_319 = tpu.vector_load %arg11[%get3A_316, %get3A_317, %get3A_318] {strides = array<i32>} : memref<2x128x128xf32, #tpu.memory_space<vmem>>, vector<1x1x16xf32>,
      %get3A_320 = vector.shape_cast %get3A_319 : vector<1x1x16xf32> to vector<16xf32>
      %get3A_321 = arith.constant 1 : i32
      %get3A_322 = arith.index_cast %get3A_321 : i32 to index
      %get3A_323 = arith.index_cast %scan3A_314 : i32 to index
      %get3A_324 = arith.constant 0 : index
      %get3A_325 = tpu.vector_load %arg12[%get3A_322, %get3A_323, %get3A_324] {strides = array<i32>} : memref<2x128x128xf32, #tpu.memory_space<vmem>>, vector<1x1x16xf32>,
      %get3A_326 = vector.shape_cast %get3A_325 : vector<1x1x16xf32> to vector<16xf32>
      %add3A_327 = arith.addf %get3A_320, %get3A_326 : vector<16xf32>
      %get3A_328 = arith.constant 1 : i32
      %get3A_329 = arith.index_cast %get3A_328 : i32 to index
      %get3A_330 = arith.index_cast %scan3A_314 : i32 to index
      %get3A_331 = arith.constant 0 : index
      %get3A_332 = tpu.vector_load %arg13[%get3A_329, %get3A_330, %get3A_331] {strides = array<i32>} : memref<2x128x128xf32, #tpu.memory_space<vmem>>, vector<1x1x16xf32>,
      %get3A_333 = vector.shape_cast %get3A_332 : vector<1x1x16xf32> to vector<16xf32>
      %sub3A = arith.subf %add3A_327, %get3A_333 : vector<16xf32>
      %abs3A = math.absf %sub3A : vector<16xf32>
      %add3A_334 = arith.addf %scan3A_315, %abs3A : vector<16xf32>
      %get3A_335 = arith.constant 1 : i32
      %get3A_336 = arith.index_cast %get3A_335 : i32 to index
      %get3A_337 = arith.index_cast %scan3A_314 : i32 to index
      %get3A_338 = arith.constant 16 : index
      %get3A_339 = tpu.vector_load %arg11[%get3A_336, %get3A_337, %get3A_338] {strides = array<i32>} : memref<2x128x128xf32, #tpu.memory_space<vmem>>, vector<1x1x16xf32>,
      %get3A_340 = vector.shape_cast %get3A_339 : vector<1x1x16xf32> to vector<16xf32>
      %get3A_341 = arith.constant 1 : i32
      %get3A_342 = arith.index_cast %get3A_341 : i32 to index
      %get3A_343 = arith.index_cast %scan3A_314 : i32 to index
      %get3A_344 = arith.constant 16 : index
      %get3A_345 = tpu.vector_load %arg12[%get3A_342, %get3A_343, %get3A_344] {strides = array<i32>} : memref<2x128x128xf32, #tpu.memory_space<vmem>>, vector<1x1x16xf32>,
      %get3A_346 = vector.shape_cast %get3A_345 : vector<1x1x16xf32> to vector<16xf32>
      %add3A_347 = arith.addf %get3A_340, %get3A_346 : vector<16xf32>
      %get3A_348 = arith.constant 1 : i32
      %get3A_349 = arith.index_cast %get3A_348 : i32 to index
      %get3A_350 = arith.index_cast %scan3A_314 : i32 to index
      %get3A_351 = arith.constant 16 : index
      %get3A_352 = tpu.vector_load %arg13[%get3A_349, %get3A_350, %get3A_351] {strides = array<i32>} : memref<2x128x128xf32, #tpu.memory_space<vmem>>, vector<1x1x16xf32>,
      %get3A_353 = vector.shape_cast %get3A_352 : vector<1x1x16xf32> to vector<16xf32>
      %sub3A_354 = arith.subf %add3A_347, %get3A_353 : vector<16xf32>
      %abs3A_355 = math.absf %sub3A_354 : vector<16xf32>
      %add3A_356 = arith.addf %add3A_334, %abs3A_355 : vector<16xf32>
      %get3A_357 = arith.constant 1 : i32
      %get3A_358 = arith.index_cast %get3A_357 : i32 to index
      %get3A_359 = arith.index_cast %scan3A_314 : i32 to index
      %get3A_360 = arith.constant 32 : index
      %get3A_361 = tpu.vector_load %arg11[%get3A_358, %get3A_359, %get3A_360] {strides = array<i32>} : memref<2x128x128xf32, #tpu.memory_space<vmem>>, vector<1x1x16xf32>,
      %get3A_362 = vector.shape_cast %get3A_361 : vector<1x1x16xf32> to vector<16xf32>
      %get3A_363 = arith.constant 1 : i32
      %get3A_364 = arith.index_cast %get3A_363 : i32 to index
      %get3A_365 = arith.index_cast %scan3A_314 : i32 to index
      %get3A_366 = arith.constant 32 : index
      %get3A_367 = tpu.vector_load %arg12[%get3A_364, %get3A_365, %get3A_366] {strides = array<i32>} : memref<2x128x128xf32, #tpu.memory_space<vmem>>, vector<1x1x16xf32>,
      %get3A_368 = vector.shape_cast %get3A_367 : vector<1x1x16xf32> to vector<16xf32>
      %add3A_369 = arith.addf %get3A_362, %get3A_368 : vector<16xf32>
      %get3A_370 = arith.constant 1 : i32
      %get3A_371 = arith.index_cast %get3A_370 : i32 to index
      %get3A_372 = arith.index_cast %scan3A_314 : i32 to index
      %get3A_373 = arith.constant 32 : index
      %get3A_374 = tpu.vector_load %arg13[%get3A_371, %get3A_372, %get3A_373] {strides = array<i32>} : memref<2x128x128xf32, #tpu.memory_space<vmem>>, vector<1x1x16xf32>,
      %get3A_375 = vector.shape_cast %get3A_374 : vector<1x1x16xf32> to vector<16xf32>
      %sub3A_376 = arith.subf %add3A_369, %get3A_375 : vector<16xf32>
      %abs3A_377 = math.absf %sub3A_376 : vector<16xf32>
      %add3A_378 = arith.addf %add3A_356, %abs3A_377 : vector<16xf32>
      %get3A_379 = arith.constant 1 : i32
      %get3A_380 = arith.index_cast %get3A_379 : i32 to index
      %get3A_381 = arith.index_cast %scan3A_314 : i32 to index
      %get3A_382 = arith.constant 48 : index
      %get3A_383 = tpu.vector_load %arg11[%get3A_380, %get3A_381, %get3A_382] {strides = array<i32>} : memref<2x128x128xf32, #tpu.memory_space<vmem>>, vector<1x1x16xf32>,
      %get3A_384 = vector.shape_cast %get3A_383 : vector<1x1x16xf32> to vector<16xf32>
      %get3A_385 = arith.constant 1 : i32
      %get3A_386 = arith.index_cast %get3A_385 : i32 to index
      %get3A_387 = arith.index_cast %scan3A_314 : i32 to index
      %get3A_388 = arith.constant 48 : index
      %get3A_389 = tpu.vector_load %arg12[%get3A_386, %get3A_387, %get3A_388] {strides = array<i32>} : memref<2x128x128xf32, #tpu.memory_space<vmem>>, vector<1x1x16xf32>,
      %get3A_390 = vector.shape_cast %get3A_389 : vector<1x1x16xf32> to vector<16xf32>
      %add3A_391 = arith.addf %get3A_384, %get3A_390 : vector<16xf32>
      %get3A_392 = arith.constant 1 : i32
      %get3A_393 = arith.index_cast %get3A_392 : i32 to index
      %get3A_394 = arith.index_cast %scan3A_314 : i32 to index
      %get3A_395 = arith.constant 48 : index
      %get3A_396 = tpu.vector_load %arg13[%get3A_393, %get3A_394, %get3A_395] {strides = array<i32>} : memref<2x128x128xf32, #tpu.memory_space<vmem>>, vector<1x1x16xf32>,
      %get3A_397 = vector.shape_cast %get3A_396 : vector<1x1x16xf32> to vector<16xf32>
      %sub3A_398 = arith.subf %add3A_391, %get3A_397 : vector<16xf32>
      %abs3A_399 = math.absf %sub3A_398 : vector<16xf32>
      %add3A_400 = arith.addf %add3A_378, %abs3A_399 : vector<16xf32>
      scf.yield %add3A_400 : vector<16xf32>
    }
    %scan3A_190 = arith.constant 128 : i32
    %dma_wait3A_191 = arith.constant 2 : i32
    %dma_wait3A_192 = arith.constant 0 : i32
    %dma_wait3A_193 = arith.constant 0 : i32
    %dma_wait3A_194 = arith.constant 0 : i32
    %dma_wait3A_195 = tpu.memref_slice %arg11[%dma_wait3A_192, %dma_wait3A_193, %dma_wait3A_194] : memref<2x128x128xf32, #tpu.memory_space<vmem>> -> memref<1x128x128xf32, #tpu.memory_space<vmem>>
    %dma_wait3A_196 = tpu.memref_squeeze %dma_wait3A_195 : memref<1x128x128xf32, #tpu.memory_space<vmem>> -> memref<128x128xf32, #tpu.memory_space<vmem>>
    %dma_wait3A_197 = arith.constant 0 : i32
    %dma_wait3A_198 = tpu.memref_slice %arg8[%dma_wait3A_191, %dma_wait3A_197] : memref<4x128xi32, #tpu.memory_space<vmem>> -> memref<1x128xi32, #tpu.memory_space<vmem>>
    %dma_wait3A_199 = tpu.memref_squeeze %dma_wait3A_198 : memref<1x128xi32, #tpu.memory_space<vmem>> -> memref<128xi32, #tpu.memory_space<vmem>>
    %dma_wait3A_200 = arith.constant 0 : i32
    %dma_wait3A_201 = arith.constant 0 : i32
    %dma_wait3A_202 = tpu.memref_slice %arg5[%dma_wait3A_200, %dma_wait3A_201] : memref<14951x128xf32, #tpu.memory_space<hbm>> -> memref<14951x128xf32, #tpu.memory_space<hbm>>
    tpu.wait_indirect_dma semaphore(%arg15 : memref<!tpu.dma_semaphore, #tpu.memory_space<semaphore_mem>>) src(%dma_wait3A_202 : memref<14951x128xf32, #tpu.memory_space<hbm>>) dst(%dma_wait3A_196 : memref<128x128xf32, #tpu.memory_space<vmem>>)
    %dma_wait3A_203 = arith.constant 2 : i32
    %dma_wait3A_204 = arith.constant 0 : i32
    %dma_wait3A_205 = arith.constant 0 : i32
    %dma_wait3A_206 = arith.constant 0 : i32
    %dma_wait3A_207 = tpu.memref_slice %arg12[%dma_wait3A_204, %dma_wait3A_205, %dma_wait3A_206] : memref<2x128x128xf32, #tpu.memory_space<vmem>> -> memref<1x128x128xf32, #tpu.memory_space<vmem>>
    %dma_wait3A_208 = tpu.memref_squeeze %dma_wait3A_207 : memref<1x128x128xf32, #tpu.memory_space<vmem>> -> memref<128x128xf32, #tpu.memory_space<vmem>>
    %dma_wait3A_209 = arith.constant 0 : i32
    %dma_wait3A_210 = tpu.memref_slice %arg9[%dma_wait3A_203, %dma_wait3A_209] : memref<4x128xi32, #tpu.memory_space<vmem>> -> memref<1x128xi32, #tpu.memory_space<vmem>>
    %dma_wait3A_211 = tpu.memref_squeeze %dma_wait3A_210 : memref<1x128xi32, #tpu.memory_space<vmem>> -> memref<128xi32, #tpu.memory_space<vmem>>
    %dma_wait3A_212 = arith.constant 0 : i32
    %dma_wait3A_213 = arith.constant 0 : i32
    %dma_wait3A_214 = tpu.memref_slice %arg6[%dma_wait3A_212, %dma_wait3A_213] : memref<1345x128xf32, #tpu.memory_space<hbm>> -> memref<1345x128xf32, #tpu.memory_space<hbm>>
    tpu.wait_indirect_dma semaphore(%arg15 : memref<!tpu.dma_semaphore, #tpu.memory_space<semaphore_mem>>) src(%dma_wait3A_214 : memref<1345x128xf32, #tpu.memory_space<hbm>>) dst(%dma_wait3A_208 : memref<128x128xf32, #tpu.memory_space<vmem>>)
    %dma_wait3A_215 = arith.constant 2 : i32
    %dma_wait3A_216 = arith.constant 0 : i32
    %dma_wait3A_217 = arith.constant 0 : i32
    %dma_wait3A_218 = arith.constant 0 : i32
    %dma_wait3A_219 = tpu.memref_slice %arg13[%dma_wait3A_216, %dma_wait3A_217, %dma_wait3A_218] : memref<2x128x128xf32, #tpu.memory_space<vmem>> -> memref<1x128x128xf32, #tpu.memory_space<vmem>>
    %dma_wait3A_220 = tpu.memref_squeeze %dma_wait3A_219 : memref<1x128x128xf32, #tpu.memory_space<vmem>> -> memref<128x128xf32, #tpu.memory_space<vmem>>
    %dma_wait3A_221 = arith.constant 0 : i32
    %dma_wait3A_222 = tpu.memref_slice %arg10[%dma_wait3A_215, %dma_wait3A_221] : memref<4x128xi32, #tpu.memory_space<vmem>> -> memref<1x128xi32, #tpu.memory_space<vmem>>
    %dma_wait3A_223 = tpu.memref_squeeze %dma_wait3A_222 : memref<1x128xi32, #tpu.memory_space<vmem>> -> memref<128xi32, #tpu.memory_space<vmem>>
    %dma_wait3A_224 = arith.constant 0 : i32
    %dma_wait3A_225 = arith.constant 0 : i32
    %dma_wait3A_226 = tpu.memref_slice %arg5[%dma_wait3A_224, %dma_wait3A_225] : memref<14951x128xf32, #tpu.memory_space<hbm>> -> memref<14951x128xf32, #tpu.memory_space<hbm>>
    tpu.wait_indirect_dma semaphore(%arg15 : memref<!tpu.dma_semaphore, #tpu.memory_space<semaphore_mem>>) src(%dma_wait3A_226 : memref<14951x128xf32, #tpu.memory_space<hbm>>) dst(%dma_wait3A_220 : memref<128x128xf32, #tpu.memory_space<vmem>>)
    %dma_start3A_227 = arith.constant 3 : i32
    %dma_start3A_228 = arith.constant 1 : i32
    %dma_start3A_229 = arith.constant 0 : i32
    %dma_start3A_230 = arith.constant 0 : i32
    %dma_start3A_231 = tpu.memref_slice %arg11[%dma_start3A_228, %dma_start3A_229, %dma_start3A_230] : memref<2x128x128xf32, #tpu.memory_space<vmem>> -> memref<1x128x128xf32, #tpu.memory_space<vmem>>
    %dma_start3A_232 = tpu.memref_squeeze %dma_start3A_231 : memref<1x128x128xf32, #tpu.memory_space<vmem>> -> memref<128x128xf32, #tpu.memory_space<vmem>>
    %dma_start3A_233 = arith.constant 0 : i32
    %dma_start3A_234 = tpu.memref_slice %arg8[%dma_start3A_227, %dma_start3A_233] : memref<4x128xi32, #tpu.memory_space<vmem>> -> memref<1x128xi32, #tpu.memory_space<vmem>>
    %dma_start3A_235 = tpu.memref_squeeze %dma_start3A_234 : memref<1x128xi32, #tpu.memory_space<vmem>> -> memref<128xi32, #tpu.memory_space<vmem>>
    %dma_start3A_236 = arith.constant 0 : i32
    %dma_start3A_237 = arith.constant 0 : i32
    %dma_start3A_238 = tpu.memref_slice %arg5[%dma_start3A_236, %dma_start3A_237] : memref<14951x128xf32, #tpu.memory_space<hbm>> -> memref<14951x128xf32, #tpu.memory_space<hbm>>
    tpu.enqueue_indirect_dma source(%dma_start3A_238 : memref<14951x128xf32, #tpu.memory_space<hbm>>) target(%dma_start3A_232 : memref<128x128xf32, #tpu.memory_space<vmem>>) offsets(%dma_start3A_235 : memref<128xi32, #tpu.memory_space<vmem>>) semaphore(%arg16 : memref<!tpu.dma_semaphore, #tpu.memory_space<semaphore_mem>>)
    %dma_start3A_239 = arith.constant 3 : i32
    %dma_start3A_240 = arith.constant 1 : i32
    %dma_start3A_241 = arith.constant 0 : i32
    %dma_start3A_242 = arith.constant 0 : i32
    %dma_start3A_243 = tpu.memref_slice %arg12[%dma_start3A_240, %dma_start3A_241, %dma_start3A_242] : memref<2x128x128xf32, #tpu.memory_space<vmem>> -> memref<1x128x128xf32, #tpu.memory_space<vmem>>
    %dma_start3A_244 = tpu.memref_squeeze %dma_start3A_243 : memref<1x128x128xf32, #tpu.memory_space<vmem>> -> memref<128x128xf32, #tpu.memory_space<vmem>>
    %dma_start3A_245 = arith.constant 0 : i32
    %dma_start3A_246 = tpu.memref_slice %arg9[%dma_start3A_239, %dma_start3A_245] : memref<4x128xi32, #tpu.memory_space<vmem>> -> memref<1x128xi32, #tpu.memory_space<vmem>>
    %dma_start3A_247 = tpu.memref_squeeze %dma_start3A_246 : memref<1x128xi32, #tpu.memory_space<vmem>> -> memref<128xi32, #tpu.memory_space<vmem>>
    %dma_start3A_248 = arith.constant 0 : i32
    %dma_start3A_249 = arith.constant 0 : i32
    %dma_start3A_250 = tpu.memref_slice %arg6[%dma_start3A_248, %dma_start3A_249] : memref<1345x128xf32, #tpu.memory_space<hbm>> -> memref<1345x128xf32, #tpu.memory_space<hbm>>
    tpu.enqueue_indirect_dma source(%dma_start3A_250 : memref<1345x128xf32, #tpu.memory_space<hbm>>) target(%dma_start3A_244 : memref<128x128xf32, #tpu.memory_space<vmem>>) offsets(%dma_start3A_247 : memref<128xi32, #tpu.memory_space<vmem>>) semaphore(%arg16 : memref<!tpu.dma_semaphore, #tpu.memory_space<semaphore_mem>>)
    %dma_start3A_251 = arith.constant 3 : i32
    %dma_start3A_252 = arith.constant 1 : i32
    %dma_start3A_253 = arith.constant 0 : i32
    %dma_start3A_254 = arith.constant 0 : i32
    %dma_start3A_255 = tpu.memref_slice %arg13[%dma_start3A_252, %dma_start3A_253, %dma_start3A_254] : memref<2x128x128xf32, #tpu.memory_space<vmem>> -> memref<1x128x128xf32, #tpu.memory_space<vmem>>
    %dma_start3A_256 = tpu.memref_squeeze %dma_start3A_255 : memref<1x128x128xf32, #tpu.memory_space<vmem>> -> memref<128x128xf32, #tpu.memory_space<vmem>>
    %dma_start3A_257 = arith.constant 0 : i32
    %dma_start3A_258 = tpu.memref_slice %arg10[%dma_start3A_251, %dma_start3A_257] : memref<4x128xi32, #tpu.memory_space<vmem>> -> memref<1x128xi32, #tpu.memory_space<vmem>>
    %dma_start3A_259 = tpu.memref_squeeze %dma_start3A_258 : memref<1x128xi32, #tpu.memory_space<vmem>> -> memref<128xi32, #tpu.memory_space<vmem>>
    %dma_start3A_260 = arith.constant 0 : i32
    %dma_start3A_261 = arith.constant 0 : i32
    %dma_start3A_262 = tpu.memref_slice %arg5[%dma_start3A_260, %dma_start3A_261] : memref<14951x128xf32, #tpu.memory_space<hbm>> -> memref<14951x128xf32, #tpu.memory_space<hbm>>
    tpu.enqueue_indirect_dma source(%dma_start3A_262 : memref<14951x128xf32, #tpu.memory_space<hbm>>) target(%dma_start3A_256 : memref<128x128xf32, #tpu.memory_space<vmem>>) offsets(%dma_start3A_259 : memref<128xi32, #tpu.memory_space<vmem>>) semaphore(%arg16 : memref<!tpu.dma_semaphore, #tpu.memory_space<semaphore_mem>>)
    %scan3A_263 = arith.constant 0 : i32
    %scan3A_264 = arith.constant 128 : i32
    %scan3A_265 = arith.addi %scan3A_263, %scan3A_264 : i32
    %scan3A_266 = arith.constant 1 : i32
    %scan3A_267 = scf.for %scan3A_314 = %scan3A_263 to %scan3A_265 step %scan3A_266 iter_args(%scan3A_315 = %scan3A_189) -> (vector<16xf32>)  : i32 {
      %get3A = arith.constant 0 : i32
      %get3A_316 = arith.index_cast %get3A : i32 to index
      %get3A_317 = arith.index_cast %scan3A_314 : i32 to index
      %get3A_318 = arith.constant 0 : index
      %get3A_319 = tpu.vector_load %arg11[%get3A_316, %get3A_317, %get3A_318] {strides = array<i32>} : memref<2x128x128xf32, #tpu.memory_space<vmem>>, vector<1x1x16xf32>,
      %get3A_320 = vector.shape_cast %get3A_319 : vector<1x1x16xf32> to vector<16xf32>
      %get3A_321 = arith.constant 0 : i32
      %get3A_322 = arith.index_cast %get3A_321 : i32 to index
      %get3A_323 = arith.index_cast %scan3A_314 : i32 to index
      %get3A_324 = arith.constant 0 : index
      %get3A_325 = tpu.vector_load %arg12[%get3A_322, %get3A_323, %get3A_324] {strides = array<i32>} : memref<2x128x128xf32, #tpu.memory_space<vmem>>, vector<1x1x16xf32>,
      %get3A_326 = vector.shape_cast %get3A_325 : vector<1x1x16xf32> to vector<16xf32>
      %add3A_327 = arith.addf %get3A_320, %get3A_326 : vector<16xf32>
      %get3A_328 = arith.constant 0 : i32
      %get3A_329 = arith.index_cast %get3A_328 : i32 to index
      %get3A_330 = arith.index_cast %scan3A_314 : i32 to index
      %get3A_331 = arith.constant 0 : index
      %get3A_332 = tpu.vector_load %arg13[%get3A_329, %get3A_330, %get3A_331] {strides = array<i32>} : memref<2x128x128xf32, #tpu.memory_space<vmem>>, vector<1x1x16xf32>,
      %get3A_333 = vector.shape_cast %get3A_332 : vector<1x1x16xf32> to vector<16xf32>
      %sub3A = arith.subf %add3A_327, %get3A_333 : vector<16xf32>
      %abs3A = math.absf %sub3A : vector<16xf32>
      %add3A_334 = arith.addf %scan3A_315, %abs3A : vector<16xf32>
      %get3A_335 = arith.constant 0 : i32
      %get3A_336 = arith.index_cast %get3A_335 : i32 to index
      %get3A_337 = arith.index_cast %scan3A_314 : i32 to index
      %get3A_338 = arith.constant 16 : index
      %get3A_339 = tpu.vector_load %arg11[%get3A_336, %get3A_337, %get3A_338] {strides = array<i32>} : memref<2x128x128xf32, #tpu.memory_space<vmem>>, vector<1x1x16xf32>,
      %get3A_340 = vector.shape_cast %get3A_339 : vector<1x1x16xf32> to vector<16xf32>
      %get3A_341 = arith.constant 0 : i32
      %get3A_342 = arith.index_cast %get3A_341 : i32 to index
      %get3A_343 = arith.index_cast %scan3A_314 : i32 to index
      %get3A_344 = arith.constant 16 : index
      %get3A_345 = tpu.vector_load %arg12[%get3A_342, %get3A_343, %get3A_344] {strides = array<i32>} : memref<2x128x128xf32, #tpu.memory_space<vmem>>, vector<1x1x16xf32>,
      %get3A_346 = vector.shape_cast %get3A_345 : vector<1x1x16xf32> to vector<16xf32>
      %add3A_347 = arith.addf %get3A_340, %get3A_346 : vector<16xf32>
      %get3A_348 = arith.constant 0 : i32
      %get3A_349 = arith.index_cast %get3A_348 : i32 to index
      %get3A_350 = arith.index_cast %scan3A_314 : i32 to index
      %get3A_351 = arith.constant 16 : index
      %get3A_352 = tpu.vector_load %arg13[%get3A_349, %get3A_350, %get3A_351] {strides = array<i32>} : memref<2x128x128xf32, #tpu.memory_space<vmem>>, vector<1x1x16xf32>,
      %get3A_353 = vector.shape_cast %get3A_352 : vector<1x1x16xf32> to vector<16xf32>
      %sub3A_354 = arith.subf %add3A_347, %get3A_353 : vector<16xf32>
      %abs3A_355 = math.absf %sub3A_354 : vector<16xf32>
      %add3A_356 = arith.addf %add3A_334, %abs3A_355 : vector<16xf32>
      %get3A_357 = arith.constant 0 : i32
      %get3A_358 = arith.index_cast %get3A_357 : i32 to index
      %get3A_359 = arith.index_cast %scan3A_314 : i32 to index
      %get3A_360 = arith.constant 32 : index
      %get3A_361 = tpu.vector_load %arg11[%get3A_358, %get3A_359, %get3A_360] {strides = array<i32>} : memref<2x128x128xf32, #tpu.memory_space<vmem>>, vector<1x1x16xf32>,
      %get3A_362 = vector.shape_cast %get3A_361 : vector<1x1x16xf32> to vector<16xf32>
      %get3A_363 = arith.constant 0 : i32
      %get3A_364 = arith.index_cast %get3A_363 : i32 to index
      %get3A_365 = arith.index_cast %scan3A_314 : i32 to index
      %get3A_366 = arith.constant 32 : index
      %get3A_367 = tpu.vector_load %arg12[%get3A_364, %get3A_365, %get3A_366] {strides = array<i32>} : memref<2x128x128xf32, #tpu.memory_space<vmem>>, vector<1x1x16xf32>,
      %get3A_368 = vector.shape_cast %get3A_367 : vector<1x1x16xf32> to vector<16xf32>
      %add3A_369 = arith.addf %get3A_362, %get3A_368 : vector<16xf32>
      %get3A_370 = arith.constant 0 : i32
      %get3A_371 = arith.index_cast %get3A_370 : i32 to index
      %get3A_372 = arith.index_cast %scan3A_314 : i32 to index
      %get3A_373 = arith.constant 32 : index
      %get3A_374 = tpu.vector_load %arg13[%get3A_371, %get3A_372, %get3A_373] {strides = array<i32>} : memref<2x128x128xf32, #tpu.memory_space<vmem>>, vector<1x1x16xf32>,
      %get3A_375 = vector.shape_cast %get3A_374 : vector<1x1x16xf32> to vector<16xf32>
      %sub3A_376 = arith.subf %add3A_369, %get3A_375 : vector<16xf32>
      %abs3A_377 = math.absf %sub3A_376 : vector<16xf32>
      %add3A_378 = arith.addf %add3A_356, %abs3A_377 : vector<16xf32>
      %get3A_379 = arith.constant 0 : i32
      %get3A_380 = arith.index_cast %get3A_379 : i32 to index
      %get3A_381 = arith.index_cast %scan3A_314 : i32 to index
      %get3A_382 = arith.constant 48 : index
      %get3A_383 = tpu.vector_load %arg11[%get3A_380, %get3A_381, %get3A_382] {strides = array<i32>} : memref<2x128x128xf32, #tpu.memory_space<vmem>>, vector<1x1x16xf32>,
      %get3A_384 = vector.shape_cast %get3A_383 : vector<1x1x16xf32> to vector<16xf32>
      %get3A_385 = arith.constant 0 : i32
      %get3A_386 = arith.index_cast %get3A_385 : i32 to index
      %get3A_387 = arith.index_cast %scan3A_314 : i32 to index
      %get3A_388 = arith.constant 48 : index
      %get3A_389 = tpu.vector_load %arg12[%get3A_386, %get3A_387, %get3A_388] {strides = array<i32>} : memref<2x128x128xf32, #tpu.memory_space<vmem>>, vector<1x1x16xf32>,
      %get3A_390 = vector.shape_cast %get3A_389 : vector<1x1x16xf32> to vector<16xf32>
      %add3A_391 = arith.addf %get3A_384, %get3A_390 : vector<16xf32>
      %get3A_392 = arith.constant 0 : i32
      %get3A_393 = arith.index_cast %get3A_392 : i32 to index
      %get3A_394 = arith.index_cast %scan3A_314 : i32 to index
      %get3A_395 = arith.constant 48 : index
      %get3A_396 = tpu.vector_load %arg13[%get3A_393, %get3A_394, %get3A_395] {strides = array<i32>} : memref<2x128x128xf32, #tpu.memory_space<vmem>>, vector<1x1x16xf32>,
      %get3A_397 = vector.shape_cast %get3A_396 : vector<1x1x16xf32> to vector<16xf32>
      %sub3A_398 = arith.subf %add3A_391, %get3A_397 : vector<16xf32>
      %abs3A_399 = math.absf %sub3A_398 : vector<16xf32>
      %add3A_400 = arith.addf %add3A_378, %abs3A_399 : vector<16xf32>
      scf.yield %add3A_400 : vector<16xf32>
    }
    %scan3A_268 = arith.constant 128 : i32
    %dma_wait3A_269 = arith.constant 3 : i32
    %dma_wait3A_270 = arith.constant 1 : i32
    %dma_wait3A_271 = arith.constant 0 : i32
    %dma_wait3A_272 = arith.constant 0 : i32
    %dma_wait3A_273 = tpu.memref_slice %arg11[%dma_wait3A_270, %dma_wait3A_271, %dma_wait3A_272] : memref<2x128x128xf32, #tpu.memory_space<vmem>> -> memref<1x128x128xf32, #tpu.memory_space<vmem>>
    %dma_wait3A_274 = tpu.memref_squeeze %dma_wait3A_273 : memref<1x128x128xf32, #tpu.memory_space<vmem>> -> memref<128x128xf32, #tpu.memory_space<vmem>>
    %dma_wait3A_275 = arith.constant 0 : i32
    %dma_wait3A_276 = tpu.memref_slice %arg8[%dma_wait3A_269, %dma_wait3A_275] : memref<4x128xi32, #tpu.memory_space<vmem>> -> memref<1x128xi32, #tpu.memory_space<vmem>>
    %dma_wait3A_277 = tpu.memref_squeeze %dma_wait3A_276 : memref<1x128xi32, #tpu.memory_space<vmem>> -> memref<128xi32, #tpu.memory_space<vmem>>
    %dma_wait3A_278 = arith.constant 0 : i32
    %dma_wait3A_279 = arith.constant 0 : i32
    %dma_wait3A_280 = tpu.memref_slice %arg5[%dma_wait3A_278, %dma_wait3A_279] : memref<14951x128xf32, #tpu.memory_space<hbm>> -> memref<14951x128xf32, #tpu.memory_space<hbm>>
    tpu.wait_indirect_dma semaphore(%arg16 : memref<!tpu.dma_semaphore, #tpu.memory_space<semaphore_mem>>) src(%dma_wait3A_280 : memref<14951x128xf32, #tpu.memory_space<hbm>>) dst(%dma_wait3A_274 : memref<128x128xf32, #tpu.memory_space<vmem>>)
    %dma_wait3A_281 = arith.constant 3 : i32
    %dma_wait3A_282 = arith.constant 1 : i32
    %dma_wait3A_283 = arith.constant 0 : i32
    %dma_wait3A_284 = arith.constant 0 : i32
    %dma_wait3A_285 = tpu.memref_slice %arg12[%dma_wait3A_282, %dma_wait3A_283, %dma_wait3A_284] : memref<2x128x128xf32, #tpu.memory_space<vmem>> -> memref<1x128x128xf32, #tpu.memory_space<vmem>>
    %dma_wait3A_286 = tpu.memref_squeeze %dma_wait3A_285 : memref<1x128x128xf32, #tpu.memory_space<vmem>> -> memref<128x128xf32, #tpu.memory_space<vmem>>
    %dma_wait3A_287 = arith.constant 0 : i32
    %dma_wait3A_288 = tpu.memref_slice %arg9[%dma_wait3A_281, %dma_wait3A_287] : memref<4x128xi32, #tpu.memory_space<vmem>> -> memref<1x128xi32, #tpu.memory_space<vmem>>
    %dma_wait3A_289 = tpu.memref_squeeze %dma_wait3A_288 : memref<1x128xi32, #tpu.memory_space<vmem>> -> memref<128xi32, #tpu.memory_space<vmem>>
    %dma_wait3A_290 = arith.constant 0 : i32
    %dma_wait3A_291 = arith.constant 0 : i32
    %dma_wait3A_292 = tpu.memref_slice %arg6[%dma_wait3A_290, %dma_wait3A_291] : memref<1345x128xf32, #tpu.memory_space<hbm>> -> memref<1345x128xf32, #tpu.memory_space<hbm>>
    tpu.wait_indirect_dma semaphore(%arg16 : memref<!tpu.dma_semaphore, #tpu.memory_space<semaphore_mem>>) src(%dma_wait3A_292 : memref<1345x128xf32, #tpu.memory_space<hbm>>) dst(%dma_wait3A_286 : memref<128x128xf32, #tpu.memory_space<vmem>>)
    %dma_wait3A_293 = arith.constant 3 : i32
    %dma_wait3A_294 = arith.constant 1 : i32
    %dma_wait3A_295 = arith.constant 0 : i32
    %dma_wait3A_296 = arith.constant 0 : i32
    %dma_wait3A_297 = tpu.memref_slice %arg13[%dma_wait3A_294, %dma_wait3A_295, %dma_wait3A_296] : memref<2x128x128xf32, #tpu.memory_space<vmem>> -> memref<1x128x128xf32, #tpu.memory_space<vmem>>
    %dma_wait3A_298 = tpu.memref_squeeze %dma_wait3A_297 : memref<1x128x128xf32, #tpu.memory_space<vmem>> -> memref<128x128xf32, #tpu.memory_space<vmem>>
    %dma_wait3A_299 = arith.constant 0 : i32
    %dma_wait3A_300 = tpu.memref_slice %arg10[%dma_wait3A_293, %dma_wait3A_299] : memref<4x128xi32, #tpu.memory_space<vmem>> -> memref<1x128xi32, #tpu.memory_space<vmem>>
    %dma_wait3A_301 = tpu.memref_squeeze %dma_wait3A_300 : memref<1x128xi32, #tpu.memory_space<vmem>> -> memref<128xi32, #tpu.memory_space<vmem>>
    %dma_wait3A_302 = arith.constant 0 : i32
    %dma_wait3A_303 = arith.constant 0 : i32
    %dma_wait3A_304 = tpu.memref_slice %arg5[%dma_wait3A_302, %dma_wait3A_303] : memref<14951x128xf32, #tpu.memory_space<hbm>> -> memref<14951x128xf32, #tpu.memory_space<hbm>>
    tpu.wait_indirect_dma semaphore(%arg16 : memref<!tpu.dma_semaphore, #tpu.memory_space<semaphore_mem>>) src(%dma_wait3A_304 : memref<14951x128xf32, #tpu.memory_space<hbm>>) dst(%dma_wait3A_298 : memref<128x128xf32, #tpu.memory_space<vmem>>)
    %scan3A_305 = arith.constant 0 : i32
    %scan3A_306 = arith.constant 128 : i32
    %scan3A_307 = arith.addi %scan3A_305, %scan3A_306 : i32
    %scan3A_308 = arith.constant 1 : i32
    %scan3A_309 = scf.for %scan3A_314 = %scan3A_305 to %scan3A_307 step %scan3A_308 iter_args(%scan3A_315 = %scan3A_267) -> (vector<16xf32>)  : i32 {
      %get3A = arith.constant 1 : i32
      %get3A_316 = arith.index_cast %get3A : i32 to index
      %get3A_317 = arith.index_cast %scan3A_314 : i32 to index
      %get3A_318 = arith.constant 0 : index
      %get3A_319 = tpu.vector_load %arg11[%get3A_316, %get3A_317, %get3A_318] {strides = array<i32>} : memref<2x128x128xf32, #tpu.memory_space<vmem>>, vector<1x1x16xf32>,
      %get3A_320 = vector.shape_cast %get3A_319 : vector<1x1x16xf32> to vector<16xf32>
      %get3A_321 = arith.constant 1 : i32
      %get3A_322 = arith.index_cast %get3A_321 : i32 to index
      %get3A_323 = arith.index_cast %scan3A_314 : i32 to index
      %get3A_324 = arith.constant 0 : index
      %get3A_325 = tpu.vector_load %arg12[%get3A_322, %get3A_323, %get3A_324] {strides = array<i32>} : memref<2x128x128xf32, #tpu.memory_space<vmem>>, vector<1x1x16xf32>,
      %get3A_326 = vector.shape_cast %get3A_325 : vector<1x1x16xf32> to vector<16xf32>
      %add3A_327 = arith.addf %get3A_320, %get3A_326 : vector<16xf32>
      %get3A_328 = arith.constant 1 : i32
      %get3A_329 = arith.index_cast %get3A_328 : i32 to index
      %get3A_330 = arith.index_cast %scan3A_314 : i32 to index
      %get3A_331 = arith.constant 0 : index
      %get3A_332 = tpu.vector_load %arg13[%get3A_329, %get3A_330, %get3A_331] {strides = array<i32>} : memref<2x128x128xf32, #tpu.memory_space<vmem>>, vector<1x1x16xf32>,
      %get3A_333 = vector.shape_cast %get3A_332 : vector<1x1x16xf32> to vector<16xf32>
      %sub3A = arith.subf %add3A_327, %get3A_333 : vector<16xf32>
      %abs3A = math.absf %sub3A : vector<16xf32>
      %add3A_334 = arith.addf %scan3A_315, %abs3A : vector<16xf32>
      %get3A_335 = arith.constant 1 : i32
      %get3A_336 = arith.index_cast %get3A_335 : i32 to index
      %get3A_337 = arith.index_cast %scan3A_314 : i32 to index
      %get3A_338 = arith.constant 16 : index
      %get3A_339 = tpu.vector_load %arg11[%get3A_336, %get3A_337, %get3A_338] {strides = array<i32>} : memref<2x128x128xf32, #tpu.memory_space<vmem>>, vector<1x1x16xf32>,
      %get3A_340 = vector.shape_cast %get3A_339 : vector<1x1x16xf32> to vector<16xf32>
      %get3A_341 = arith.constant 1 : i32
      %get3A_342 = arith.index_cast %get3A_341 : i32 to index
      %get3A_343 = arith.index_cast %scan3A_314 : i32 to index
      %get3A_344 = arith.constant 16 : index
      %get3A_345 = tpu.vector_load %arg12[%get3A_342, %get3A_343, %get3A_344] {strides = array<i32>} : memref<2x128x128xf32, #tpu.memory_space<vmem>>, vector<1x1x16xf32>,
      %get3A_346 = vector.shape_cast %get3A_345 : vector<1x1x16xf32> to vector<16xf32>
      %add3A_347 = arith.addf %get3A_340, %get3A_346 : vector<16xf32>
      %get3A_348 = arith.constant 1 : i32
      %get3A_349 = arith.index_cast %get3A_348 : i32 to index
      %get3A_350 = arith.index_cast %scan3A_314 : i32 to index
      %get3A_351 = arith.constant 16 : index
      %get3A_352 = tpu.vector_load %arg13[%get3A_349, %get3A_350, %get3A_351] {strides = array<i32>} : memref<2x128x128xf32, #tpu.memory_space<vmem>>, vector<1x1x16xf32>,
      %get3A_353 = vector.shape_cast %get3A_352 : vector<1x1x16xf32> to vector<16xf32>
      %sub3A_354 = arith.subf %add3A_347, %get3A_353 : vector<16xf32>
      %abs3A_355 = math.absf %sub3A_354 : vector<16xf32>
      %add3A_356 = arith.addf %add3A_334, %abs3A_355 : vector<16xf32>
      %get3A_357 = arith.constant 1 : i32
      %get3A_358 = arith.index_cast %get3A_357 : i32 to index
      %get3A_359 = arith.index_cast %scan3A_314 : i32 to index
      %get3A_360 = arith.constant 32 : index
      %get3A_361 = tpu.vector_load %arg11[%get3A_358, %get3A_359, %get3A_360] {strides = array<i32>} : memref<2x128x128xf32, #tpu.memory_space<vmem>>, vector<1x1x16xf32>,
      %get3A_362 = vector.shape_cast %get3A_361 : vector<1x1x16xf32> to vector<16xf32>
      %get3A_363 = arith.constant 1 : i32
      %get3A_364 = arith.index_cast %get3A_363 : i32 to index
      %get3A_365 = arith.index_cast %scan3A_314 : i32 to index
      %get3A_366 = arith.constant 32 : index
      %get3A_367 = tpu.vector_load %arg12[%get3A_364, %get3A_365, %get3A_366] {strides = array<i32>} : memref<2x128x128xf32, #tpu.memory_space<vmem>>, vector<1x1x16xf32>,
      %get3A_368 = vector.shape_cast %get3A_367 : vector<1x1x16xf32> to vector<16xf32>
      %add3A_369 = arith.addf %get3A_362, %get3A_368 : vector<16xf32>
      %get3A_370 = arith.constant 1 : i32
      %get3A_371 = arith.index_cast %get3A_370 : i32 to index
      %get3A_372 = arith.index_cast %scan3A_314 : i32 to index
      %get3A_373 = arith.constant 32 : index
      %get3A_374 = tpu.vector_load %arg13[%get3A_371, %get3A_372, %get3A_373] {strides = array<i32>} : memref<2x128x128xf32, #tpu.memory_space<vmem>>, vector<1x1x16xf32>,
      %get3A_375 = vector.shape_cast %get3A_374 : vector<1x1x16xf32> to vector<16xf32>
      %sub3A_376 = arith.subf %add3A_369, %get3A_375 : vector<16xf32>
      %abs3A_377 = math.absf %sub3A_376 : vector<16xf32>
      %add3A_378 = arith.addf %add3A_356, %abs3A_377 : vector<16xf32>
      %get3A_379 = arith.constant 1 : i32
      %get3A_380 = arith.index_cast %get3A_379 : i32 to index
      %get3A_381 = arith.index_cast %scan3A_314 : i32 to index
      %get3A_382 = arith.constant 48 : index
      %get3A_383 = tpu.vector_load %arg11[%get3A_380, %get3A_381, %get3A_382] {strides = array<i32>} : memref<2x128x128xf32, #tpu.memory_space<vmem>>, vector<1x1x16xf32>,
      %get3A_384 = vector.shape_cast %get3A_383 : vector<1x1x16xf32> to vector<16xf32>
      %get3A_385 = arith.constant 1 : i32
      %get3A_386 = arith.index_cast %get3A_385 : i32 to index
      %get3A_387 = arith.index_cast %scan3A_314 : i32 to index
      %get3A_388 = arith.constant 48 : index
      %get3A_389 = tpu.vector_load %arg12[%get3A_386, %get3A_387, %get3A_388] {strides = array<i32>} : memref<2x128x128xf32, #tpu.memory_space<vmem>>, vector<1x1x16xf32>,
      %get3A_390 = vector.shape_cast %get3A_389 : vector<1x1x16xf32> to vector<16xf32>
      %add3A_391 = arith.addf %get3A_384, %get3A_390 : vector<16xf32>
      %get3A_392 = arith.constant 1 : i32
      %get3A_393 = arith.index_cast %get3A_392 : i32 to index
      %get3A_394 = arith.index_cast %scan3A_314 : i32 to index
      %get3A_395 = arith.constant 48 : index
      %get3A_396 = tpu.vector_load %arg13[%get3A_393, %get3A_394, %get3A_395] {strides = array<i32>} : memref<2x128x128xf32, #tpu.memory_space<vmem>>, vector<1x1x16xf32>,
      %get3A_397 = vector.shape_cast %get3A_396 : vector<1x1x16xf32> to vector<16xf32>
      %sub3A_398 = arith.subf %add3A_391, %get3A_397 : vector<16xf32>
      %abs3A_399 = math.absf %sub3A_398 : vector<16xf32>
      %add3A_400 = arith.addf %add3A_378, %abs3A_399 : vector<16xf32>
      scf.yield %add3A_400 : vector<16xf32>
    }
    %scan3A_310 = arith.constant 128 : i32
    %swap3A = arith.constant 0 : index
    %swap3A_311 = tpu.vector_load %arg14[%swap3A] {strides = array<i32>} : memref<16xf32, #tpu.memory_space<vmem>>, vector<16xf32>,
    %swap3A_312 = vector.shape_cast %swap3A_311 : vector<16xf32> to vector<16xf32>
    %swap3A_313 = vector.shape_cast %scan3A_309 : vector<16xf32> to vector<16xf32>
    tpu.vector_store %arg14[%swap3A], %swap3A_313 {strides = array<i32>} : memref<16xf32, #tpu.memory_space<vmem>>, vector<16xf32>,
    "tpu.region"() ({
      %run_scoped3A = tpu.sem_alloc : memref<!tpu.dma_semaphore, #tpu.memory_space<semaphore_mem>>
      %dma_start3A_314 = arith.constant 0 : i32
      %dma_start3A_315 = tpu.memref_slice %arg7[%add3A, %dma_start3A_314] : memref<32x16xf32, #tpu.memory_space<hbm>> -> memref<1x16xf32, #tpu.memory_space<hbm>>
      %dma_start3A_316 = tpu.memref_squeeze %dma_start3A_315 : memref<1x16xf32, #tpu.memory_space<hbm>> -> memref<16xf32, #tpu.memory_space<hbm>>
      %dma_start3A_317 = arith.constant 0 : i32
      %dma_start3A_318 = tpu.memref_slice %arg7[%add3A, %dma_start3A_317] : memref<32x16xf32, #tpu.memory_space<hbm>> -> memref<1x16xf32, #tpu.memory_space<hbm>>
      %dma_start3A_319 = tpu.memref_squeeze %dma_start3A_318 : memref<1x16xf32, #tpu.memory_space<hbm>> -> memref<16xf32, #tpu.memory_space<hbm>>
      tpu.enqueue_dma source(%arg14 : memref<16xf32, #tpu.memory_space<vmem>>) target(%dma_start3A_319 : memref<16xf32, #tpu.memory_space<hbm>>) target_semaphore(%run_scoped3A : memref<!tpu.dma_semaphore, #tpu.memory_space<semaphore_mem>>)
      %dma_wait3A_320 = arith.constant 0 : i32
      %dma_wait3A_321 = tpu.memref_slice %arg7[%add3A, %dma_wait3A_320] : memref<32x16xf32, #tpu.memory_space<hbm>> -> memref<1x16xf32, #tpu.memory_space<hbm>>
      %dma_wait3A_322 = tpu.memref_squeeze %dma_wait3A_321 : memref<1x16xf32, #tpu.memory_space<hbm>> -> memref<16xf32, #tpu.memory_space<hbm>>
      %dma_wait3A_323 = arith.constant 0 : i32
      %dma_wait3A_324 = tpu.memref_slice %arg7[%add3A, %dma_wait3A_323] : memref<32x16xf32, #tpu.memory_space<hbm>> -> memref<1x16xf32, #tpu.memory_space<hbm>>
      %dma_wait3A_325 = tpu.memref_squeeze %dma_wait3A_324 : memref<1x16xf32, #tpu.memory_space<hbm>> -> memref<16xf32, #tpu.memory_space<hbm>>
      tpu.wait_dma2 semaphore(%run_scoped3A : memref<!tpu.dma_semaphore, #tpu.memory_space<semaphore_mem>>) src(%arg14 : memref<16xf32, #tpu.memory_space<vmem>>) dst(%dma_wait3A_325 : memref<16xf32, #tpu.memory_space<hbm>>)
      tpu.yield
    }) : () -> ()
    return
  }
}

</mosaic_0001>

<sc_bundles>
// kernel: kernel.3.cloned.1.call-start
scs
__scs_entry_jumppad:
0x0: {  	(pc) =	sbr.rel $0x88, $3  }
0x1: {  	(tag) =	ssettag $0x0;
	lr =	simm.s32 $0x1  }
0x2: {  	[smem:$0x3F9C] =	sst lr;
	_ =	strace $0xD0000000  }
0x3: {  	_ = 	snop  }
0x4: {  	_ = 	snop  }
0x5: {  	_ = 	snop  }
0x6: {  	_ = 	snop  }
0x7: {  	_ = 	snop  }
__scs_overlays_trampoline_lowered:
0x8: {  	[smem:$0x3FAB] =	sst s0  }
0x9: {  	[smem:$0x3FAC] =	sst s1  }
0xa: {  	[smem:$0x3FAD] =	sst s2  }
0xb: {  	[smem:$0x3FAE] =	sst s3  }
0xc: {  	[smem:$0x3FAF] =	sst s4  }
0xd: {  	[smem:$0x3FB0] =	sst s5  }
0xe: {  	[smem:$0x3FB1] =	sst s6  }
0xf: {  	[smem:$0x3FB2] =	sst s7  }
0x10: {  	[smem:$0x3FB3] =	sst s8  }
0x11: {  	[smem:$0x3FB4] =	sst s9;
	s0 =	simm.s32 @!p0 $0x0  }
0x12: {  	s1 =	sld [smem:$0x3F9A];
	s0 =	simm.s32 @p0 $0x1  }
0x13: {  	[smem:$0x3FB5] =	sst s0;
	s0 =	simm.s32 @!p1 $0x0  }
0x14: {  	s2 =	sld [smem:$0x3F99];
	s0 =	simm.s32 @p1 $0x1  }
0x15: {  	[smem:$0x3FB6] =	sst s0;
	s0 =	simm.s32 @!p2 $0x0  }
0x16: {  	s3 =	sld [smem:$0x3FDB];
	s0 =	simm.s32 @p2 $0x1  }
0x17: {  	s4 =	simm.s32 $0x1BF5;
	[smem:$0x3FB8] =	sst s0  }
0x18: {  	s0 =	sld [smem:$0x3F9B];
	_ =	swait.ge [sflag:s4], $0x0  }
0x19: {  	s7 =	sld [smem:$0x3F9C]  }
0x1a: {  	s8 =	sadd.s32 $0xFFFFE003, lr  }
0x1b: {  	s9 =	sadd.s32 $0xFFFFFEF7, lr;
	s5 =	simm.s32 $0xFFFFFFFF;
	p2 =	slt.u32 s8, $0xFFFFF086  }
0x1c: {  	p1 =	slt.u32 s9, $0xF7A;
	s5 =	simm.s32 @!p2 $0x0  }
0x1d: {  	s5 =	simm.s32 @p1 $0x1;
	p0 =	seq.s32 s7, s2  }
0x1e: {  	s7 =	smul.u32 @!p0 $0xF7A, s2;
	p2 =	seq.s32 @!p0 s5, $0x0  }
0x1f: {  	s9 =	smul.u32 $0xF7A, s1;
	s8 =	simm.s32 @!p0 $0x1BF5;
	p2 =	por !p2, p0  }
0x20: {  	[sflag:s8] =	ssyncset.s32 @!p0 $0xFFFFF086;
	s6 =	sadd.s32 @!p0 s3, s7;
	s7 =	simm.s32 @!p0 $0x108  }
0x21: {  	s3 =	sadd.s32 s3, s9;
	s6 =	sadd.s32 @!p0 $0x88, s6;
	s7 =	simm.s32 @p2 $0x1082  }
0x22: {  	[simem:s7], [sflag:s8] =	dma.local @!p0 [hbm:s6], $0xF7A  }
0x23: {  	s9 =	sor.u32 $0xD0000000, s2;
	s6 =	simm.s32 $0x108;
	_ =	swait.ge @!p0 [sflag:s8], $0x0  }
0x24: {  	s3 =	sadd.s32 $0x88, s3;
	s6 =	simm.s32 @!p1 $0x1082;
	[sflag:s4] =	ssyncset.s32 $0xFFFFF086  }
0x25: {  	[simem:s6], [sflag:s4] =	dma.local [hbm:s3], $0xF7A  }
0x26: {  	[smem:$0x3F9C] =	sst s1;
	(tag) =	ssettag s2;
	_ =	strace s9  }
0x27: {  	s1 =	sld [smem:$0x3FAC]  }
0x28: {  	s2 =	sld [smem:$0x3FAD]  }
0x29: {  	s4 =	sld [smem:$0x3FAF]  }
0x2a: {  	p0 =	seq.s32 s5, $0x0;
	s5 =	sld [smem:$0x3FB0]  }
0x2b: {  	s6 =	sld [smem:$0x3FB1]  }
0x2c: {  	s7 =	sld [smem:$0x3FB2]  }
0x2d: {  	s3 =	simm.s32 $0x108;
	s8 =	sld [smem:$0x3FB3]  }
0x2e: {  	s3 =	simm.s32 @!p0 $0x1082;
	s9 =	sld [smem:$0x3FB4]  }
0x2f: {  	lr =	sadd.s32 s0, s3;
	s0 =	sld [smem:$0x3FAB]  }
0x30: {  	s3 =	sld [smem:$0x3FAE]  }
0x31: {  	[smem:$0x3FB7] =	sst s10  }
0x32: {  	s10 =	sld [smem:$0x3FB5];
	_ =	sdelay $0x3  }
0x33: {  	p0 =	seq.s32 s10, $0x1;
	s10 =	sld [smem:$0x3FB7];
	_ =	sdelay $0x3  }
0x34: {  	[smem:$0x3FB7] =	sst s10  }
0x35: {  	s10 =	sld [smem:$0x3FB6];
	_ =	sdelay $0x3  }
0x36: {  	p1 =	seq.s32 s10, $0x1;
	s10 =	sld [smem:$0x3FB7];
	_ =	sdelay $0x3  }
0x37: {  	[smem:$0x3FB7] =	sst s10  }
0x38: {  	s10 =	sld [smem:$0x3FB8]  }
0x39: {  	_ = 	snop;
	(pc) =	sbr.ind lr, $3  }
0x3a: {  	_ = 	snop  }
0x3b: {  	_ = 	snop  }
0x3c: {  	p2 =	seq.s32 s10, $0x1;
	s10 =	sld [smem:$0x3FB7]  }
0x3d: {  	_ =	shalt  }
0x3e: {  	_ =	shalt  }
0x3f: {  	_ =	shalt  }
0x40: {  	_ =	shalt  }
0x41: {  	_ =	shalt  }
0x42: {  	_ =	shalt  }
0x43: {  	_ =	shalt  }
0x44: {  	_ =	shalt  }
0x45: {  	_ =	shalt  }
0x46: {  	_ =	shalt  }
0x47: {  	_ =	shalt  }
0x48: {  	_ =	shalt  }
0x49: {  	_ =	shalt  }
0x4a: {  	_ =	shalt  }
0x4b: {  	_ =	shalt  }
0x4c: {  	_ =	shalt  }
0x4d: {  	_ =	shalt  }
0x4e: {  	_ =	shalt  }
0x4f: {  	_ =	shalt  }
0x50: {  	_ =	shalt  }
0x51: {  	_ =	shalt  }
0x52: {  	_ =	shalt  }
0x53: {  	_ =	shalt  }
0x54: {  	_ =	shalt  }
0x55: {  	_ =	shalt  }
0x56: {  	_ =	shalt  }
0x57: {  	_ =	shalt  }
0x58: {  	_ =	shalt  }
0x59: {  	_ =	shalt  }
0x5a: {  	_ =	shalt  }
0x5b: {  	_ =	shalt  }
0x5c: {  	_ =	shalt  }
0x5d: {  	_ =	shalt  }
0x5e: {  	_ =	shalt  }
0x5f: {  	_ =	shalt  }
0x60: {  	_ =	shalt  }
0x61: {  	_ =	shalt  }
0x62: {  	_ =	shalt  }
0x63: {  	_ =	shalt  }
0x64: {  	_ =	shalt  }
0x65: {  	_ =	shalt  }
0x66: {  	_ =	shalt  }
0x67: {  	_ =	shalt  }
0x68: {  	_ =	shalt  }
0x69: {  	_ =	shalt  }
0x6a: {  	_ =	shalt  }
0x6b: {  	_ =	shalt  }
0x6c: {  	_ =	shalt  }
0x6d: {  	_ =	shalt  }
0x6e: {  	_ =	shalt  }
0x6f: {  	_ =	shalt  }
0x70: {  	_ =	shalt  }
0x71: {  	_ =	shalt  }
0x72: {  	_ =	shalt  }
0x73: {  	_ =	shalt  }
0x74: {  	_ =	shalt  }
0x75: {  	_ =	shalt  }
0x76: {  	_ =	shalt  }
0x77: {  	_ =	shalt  }
0x78: {  	_ =	shalt  }
0x79: {  	_ =	shalt  }
0x7a: {  	_ =	shalt  }
0x7b: {  	_ =	shalt  }
0x7c: {  	_ =	shalt  }
0x7d: {  	_ =	shalt  }
0x7e: {  	_ =	shalt  }
0x7f: {  	_ =	shalt  }
0x80: {  	_ =	shalt  }
0x81: {  	_ =	shalt  }
0x82: {  	_ =	shalt  }
0x83: {  	_ =	shalt  }
0x84: {  	_ =	shalt  }
0x85: {  	_ =	shalt  }
0x86: {  	_ =	shalt  }
0x87: {  	_ =	shalt  }
.Lfunc_end0:
.L_simem_size_0:
called_computation_lowered:
.L_overlay_start_0:
0x88: {  	s2 =	sld [smem:$0x3FD9]  }
0x89: {  	s3 =	sld [smem:$0x3FFE];
	_ =	sdelay $0x1  }
0x8a: {  	s1 =	srdreg.scid  }
0x8b: {  	s0 =	sand.u32 $0x1, s1  }
0x8c: {  	s17 =	sshll.u32 s0, $0xA;
	s2 =	sadd.s32 s3, s2  }
0x8d: {  	s2 =	sadd.s32 s2, s17  }
0x8e: {  	[smem:$0x3FC3] =	sst s2  }
0x8f: {  	_ = 	snop  }
0x90: {  	s2 =	sld [smem:$0x3FC9]  }
0x91: {  	s18 =	sld [smem:$0x3FC8]  }
0x92: {  	s4 =	sld [smem:$0x3FC7];
	(tm) =	ssettm $0x1  }
0x93: {  	s5 =	sld [smem:$0x3FFB];
	_ =	sdelay $0x3  }
0x94: {  	_ =	strace s5  }
0x95: {  	s5 =	sld [smem:$0x3FFC];
	_ =	sdelay $0x3  }
0x96: {  	_ =	strace s5  }
0x97: {  	s5 =	sld [smem:$0x3FFD];
	_ =	sdelay $0x3  }
0x98: {  	_ =	strace s5  }
0x99: {  	_ =	strace $0x8FFFFFFF  }
0x9a: {  	s19 =	sld [smem:$0x3FDB];
	_ =	sdelay $0x1  }
0x9b: {  	s6 =	simm.s32 $_scs_section_size  }
0x9c: {  	s7 =	simm.s32 $_size__tile_overlayer_lowered;
	s8 =	simm.s32 $_tile_overlayer_lowered  }
0x9d: {  	s22 =	simm.s32 $0x1BFF;
	s21 =	sshll.u32 s8, $0x1;
	s5 =	sadd.s32 s6, s19  }
0x9e: {  	s9 =	simm.s32 $0x0;
	s20 =	sshll.u32 s7, $0x1;
	s7 =	sadd.s32 s21, s5  }
0x9f: {  	[timem:s9], [sflag:s22] =	dma.local [hbm:s7], s20  }
0xa0: {  	_ =	swait.ge [sflag:s22], s20  }
0xa1: {  	s6 =	ssub.s32 $0x0, s20;
	[sflag:s22] =	ssyncset.done $0x0  }
0xa2: {  	[sflag:s22] =	ssyncadd.s32 s6;
	_ =	sdelay $0x1  }
0xa3: {  	s23 =	simm.s32 $0x1B8B  }
0xa4: {  	_ =	swait.ge [sflag:s23], $0x1  }
0xa5: {  	[sflag:s23] =	ssyncset.done $0x0  }
0xa6: {  	s25 =	simm.s32 $0x1B8E;
	s24 =	sld [smem:$0x3FFE];
	[sflag:s23] =	ssyncadd.s32 $0xFFFFFFFF  }
0xa7: {  	s26 =	simm.s32 $execute0_lowered;
	[smem:$0x3FD2] =	sst s25  }
0xa8: {  	s7 =	sshll.u32 s26, $0x1;
	_ =	strace $0x80000046;
	[dreg:$0x1] =	wrdreg $0xFFFFFFFF  }
0xa9: {  	s28 =	simm.s32 $_size_execute0_lowered;
	s5 =	sadd.s32 s5, s7;
	[dreg:$0x0] =	wrdreg $0x0  }
0xaa: {  	s7 =	sshll.u32 s28, $0x1;
	[dreg:$0x2] =	wrdreg s5  }
0xab: {  	[dreg:$0x3] =	wrdreg s7  }
0xac: {  	[dreg:$0x4] =	wrdreg $0xC0  }
0xad: {  	_ =	task [dreg:s9], $0x5FFFF  }
0xae: {  	[dreg:$0x1] =	wrdreg $0xFFFFFFFF  }
0xaf: {  	[dreg:$0x0] =	wrdreg $0x60  }
0xb0: {  	[dreg:$0x2] =	wrdreg s2  }
0xb1: {  	[dreg:$0x3] =	wrdreg s18  }
0xb2: {  	[dreg:$0x4] =	wrdreg s4  }
0xb3: {  	[dreg:$0x5] =	wrdreg s24  }
0xb4: {  	[dreg:$0x6] =	wrdreg $0x9  }
0xb5: {  	_ =	task.clear_ibuf [dreg:s9], $0x7FFFF;
	_ =	strace $0x90000046  }
0xb6: {  	s29 =	simm.s32 $0x9;
	_ =	strace $0x80000048  }
0xb7: {  	_ =	swait.ge [sflag:s29], $0x1  }
0xb8: {  	[sflag:s29] =	ssyncadd.s32 $0xFFFFFFFF  }
0xb9: {  	_ =	strace $0x90000048  }
0xba: {  	_ =	sfence  }
0xbb: {  	s30 =	sld [smem:$0x0];
	_ =	sdelay $0x2  }
0xbc: {  	s31 =	sshll.u32 s1, $0xD;
	s1 =	sshrl.u32 s1, $0x2  }
0xbd: {  	s3 =	sand.u32 $0x4000, s31;
	s1 =	sadd.s32 s1, s30  }
0xbe: {  	s0 =	sor.u32 s3, s0;
	s1 =	sshll.u32 s1, $0x11  }
0xbf: {  	s0 =	sor.u32 s1, s0  }
0xc0: {  	s0 =	sadd.s32 $0x8F2B, s0  }
0xc1: {  	[sflag:s0] =	ssyncadd.remote.s32 $0x1  }
0xc2: {  	_ =	sfence.sel $0xFFFF  }
0xc3: {  	[dreg:$0x0] =	wrdreg $0xFFFFFFFF;
	(pc) =	sbr.abs _section_cstart, $3  }
0xc4: {  	[dreg:$0x1] =	wrdreg $0xFFFFFFFF  }
0xc5: {  	_ =	task.clear_ibuf [dreg:s9], $0x2FFFF;
	_ =	strace $0x9FFFFFFF  }
0xc6: {  	(tm) =	ssettm $0x7FFFFFFF  }
0xc7: {  	_ =	shalt  }
tec
execute0_lowered:
.L_overlay_start_1:
0x0: {  	(tag) =	ssettag $0x1  }
0x1: {  	s0 =	rddreg [dreg:$0x0]  }
0x2: {  	s1 =	rddreg [dreg:$0x1]  }
0x3: {  	s7 =	rddreg [dreg:$0x2]  }
0x4: {  	s5 =	rddreg [dreg:$0x3]  }
0x5: {  	s2 =	simm.s32 $0x0;
	s3 =	srdreg.scid;
	s6 =	stileid.u32  }
0x6: {  	s11 =	simm.s32 $0x200;
	s12 =	simm.s32 $0x400;
	s13 =	simm.s32 $0x80  }
0x7: {  	s14 =	simm.s32 $0x600;
	s15 =	simm.s32 $0x8600;
	s16 =	simm.s32 $0x10600  }
0x8: {  	s17 =	simm.s32 $0x1;
	s18 =	simm.s32 $0x4600;
	s20 =	simm.s32 $0xC600  }
0x9: {  	s21 =	simm.s32 $0x480;
	s22 =	simm.s32 $0x14600;
	s23 =	simm.s32 $0x2  }
0xa: {  	s24 =	simm.s32 $0x100;
	s25 =	simm.s32 $0x300;
	s28 =	simm.s32 $0x180  }
0xb: {  	s29 =	simm.s32 $0x380;
	s30 =	simm.s32 $0x580;
	s31 =	simm.s32 $0x18600  }
0xc: {  	[smem:$0x7FF] =	sst s2;
	s4 =	sand.u32 $0x1, s3;
	s6 =	sshll.u32 s6, $0x1  }
0xd: {  	s3 =	sadd.s32 $0x200, s5;
	_ =	strace $0x80000047;
	s6 =	sor.u32 s4, s6  }
0xe: {  	s8 =	ssub.s32 $0x2, s4;
	s4 =	sadd.s32 $0x3AA00, s5;
	s9 =	sshll.u32 s6, $0x4  }
0xf: {  	s10 =	sshrl.u32 s8, $0x1;
	s26 =	sshll.u32 s6, $0x6;
	s9 =	sadd.s32 s9, s5  }
0x10: {  	s10 =	ssub.s32 s8, s10;
	s5 =	sadd.s32 s0, s26;
	s6 =	sadd.s32 s1, s26  }
0x11: {  	s7 =	sadd.s32 s7, s26;
	s26 =	simm.s32 $0x500;
	s0 =	simm.s32 $0x0  }
0x12: {  	s8 =	sadd.s32 $0x40000, s9;
	s9 =	smax.u32 s10, $0x1;
	s10 =	simm.s32 $0x3  }
.LBB2_1:
0x13: {  	[tilespmem:s2], [sflag:$0x3] =	stream.linear.gather [hbm4b:s5+s2], $0x200, $0x38;
	[tilespmem:$0x18680] =	vst v63  }
0x14: {  	_ =	swait.ge [sflag:s10], $0x200  }
0x15: {  	[sflag:s10] =	ssyncset.done $0x0  }
0x16: {  	[sflag:s10] =	ssyncadd.s32 $0xFFFFFE00  }
0x17: {  	[tilespmem:s11], [sflag:$0x3] =	stream.linear.gather [hbm4b:s6+s2], $0x200, $0x38;
	[tilespmem:$0x18680] =	vst v63  }
0x18: {  	_ =	swait.ge [sflag:s10], $0x200  }
0x19: {  	[sflag:s10] =	ssyncset.done $0x0  }
0x1a: {  	[sflag:s10] =	ssyncadd.s32 $0xFFFFFE00  }
0x1b: {  	[tilespmem:s12], [sflag:$0x3] =	stream.linear.gather [hbm4b:s7+s2], $0x200, $0x38;
	[tilespmem:$0x18680] =	vst v63  }
0x1c: {  	_ =	swait.ge [sflag:s10], $0x200  }
0x1d: {  	[sflag:s10] =	ssyncset.done $0x0  }
0x1e: {  	[sflag:s10] =	ssyncadd.s32 $0xFFFFFE00  }
0x1f: {  	[tilespmem:s14], [sflag:$0x1] =	stream.indirect.gather [hbm4b:s3+s13], $0x80, s2, s13, $0xb8;
	[tilespmem:$0x18680] =	vst v63  }
0x20: {  	_ = 	snop  }
0x21: {  	[tilespmem:s15], [sflag:$0x1] =	stream.indirect.gather [hbm4b:s4+s13], $0x80, s11, s13, $0xb8;
	[tilespmem:$0x18680] =	vst v63  }
0x22: {  	_ = 	snop  }
0x23: {  	[tilespmem:s16], [sflag:$0x1] =	stream.indirect.gather [hbm4b:s3+s13], $0x80, s12, s13, $0xb8;
	[tilespmem:$0x18680] =	vst v63  }
0x24: {  	_ =	swait.ge [sflag:s17], $0x4000  }
0x25: {  	[sflag:s17] =	ssyncset.done $0x0  }
0x26: {  	[sflag:s17] =	ssyncadd.s32 $0xFFFFC000  }
0x27: {  	_ =	swait.ge [sflag:s17], $0x4000  }
0x28: {  	[sflag:s17] =	ssyncset.done $0x0  }
0x29: {  	[sflag:s17] =	ssyncadd.s32 $0xFFFFC000  }
0x2a: {  	_ =	swait.ge [sflag:s17], $0x4000  }
0x2b: {  	[sflag:s17] =	ssyncset.done $0x0  }
0x2c: {  	[sflag:s17] =	ssyncadd.s32 $0xFFFFC000  }
0x2d: {  	[tilespmem:s18], [sflag:$0x2] =	stream.indirect.gather [hbm4b:s3+s13], $0x80, s13, s13, $0xb8;
	[tilespmem:$0x18680] =	vst v63  }
0x2e: {  	s1 =	simm.s32 $0x280  }
0x2f: {  	[tilespmem:s20], [sflag:$0x2] =	stream.indirect.gather [hbm4b:s4+s13], $0x80, s1, s13, $0xb8;
	[tilespmem:$0x18680] =	vst v63  }
0x30: {  	s19 =	simm.s32 $0x0  }
0x31: {  	[tilespmem:s22], [sflag:$0x2] =	stream.indirect.gather [hbm4b:s3+s13], $0x80, s21, s13, $0xb8;
	[tilespmem:$0x18680] =	vst v63  }
0x32: {  	v6 =	vld [tilespmem:s19+$0x10620]  }
0x33: {  	v2 =	vld [tilespmem:s19+$0x10610]  }
0x34: {  	v0 =	vld [tilespmem:s19+$0x10600]  }
0x35: {  	v1 =	vld [tilespmem:s19+$0x600]  }
0x36: {  	v3 =	vld [tilespmem:s19+$0x8600]  }
0x37: {  	v4 =	vld [tilespmem:s19+$0x610]  }
0x38: {  	v5 =	vld [tilespmem:s19+$0x8610]  }
0x39: {  	v7 =	vld [tilespmem:s19+$0x620]  }
0x3a: {  	v8 =	vld [tilespmem:s19+$0x8620]  }
0x3b: {  	v9 =	vld [tilespmem:s19+$0x630];
	v1 =	vadd.f32 v3, v1  }
0x3c: {  	v10 =	vld [tilespmem:s19+$0x8630]  }
0x3d: {  	s1 =	simm.s32 $0x80;
	v4 =	vadd.f32 v5, v4;
	v3 =	vld [tilespmem:s19+$0x10630];
	v11 =	vsub.f32 v1, v0  }
0x3e: {  	v5 =	vimm.f32 $0.0e+00;
	v1 =	vld [tilespmem:s1+$0x10620]  }
0x3f: {  	v7 =	vadd.f32 v8, v7;
	v0 =	vld [tilespmem:s1+$0x10610];
	v12 =	vsub.f32 v4, v2;
	v11 =	vand.u32 $0x7FFFFFFF, v11  }
0x40: {  	v2 =	vld [tilespmem:s1+$0x10600];
	v5 =	vadd.f32 v11, v5  }
0x41: {  	s19 =	simm.s32 $0x400;
	v4 =	vld [tilespmem:s1+$0x600];
	v6 =	vsub.f32 v7, v6;
	v7 =	vadd.f32 v10, v9;
	v8 =	vand.u32 $0x7FFFFFFF, v12  }
.LBB2_2:
0x42: {  	p0 =	sne.s32 s19, $0xFE00;
	v9 =	vld [tilespmem:s1+$0x8600];
	v5 =	vadd.f32 v8, v5  }
0x43: {  	v8 =	vld [tilespmem:s1+$0x610];
	v6 =	vand.u32 $0x7FFFFFFF, v6;
	v3 =	vsub.f32 v7, v3;
	v7 =	vmov v1  }
0x44: {  	v1 =	vld [tilespmem:s1+$0x8610];
	v5 =	vadd.f32 v6, v5  }
0x45: {  	v6 =	vld [tilespmem:s1+$0x620];
	v3 =	vand.u32 $0x7FFFFFFF, v3  }
0x46: {  	v10 =	vld [tilespmem:s1+$0x8620];
	v5 =	vadd.f32 v3, v5  }
0x47: {  	v3 =	vadd.f32 v9, v4;
	v9 =	vld [tilespmem:s1+$0x630]  }
0x48: {  	v11 =	vld [tilespmem:s1+$0x8630]  }
.Ltmp0:
0x49: {  	v2 =	vsub.f32 v3, v2;
	v4 =	vadd.f32 v1, v8;
	v3 =	vld [tilespmem:s1+$0x10630];
	s1 =	sshra.s32 s19, $0x2;
	(pc) =	sbr.rel @p0 .LBB2_2-.Ltmp0, $4  }
0x4a: {  	v1 =	vld [tilespmem:s1+$0x10620]  }
0x4b: {  	v8 =	vand.u32 $0x7FFFFFFF, v2;
	v12 =	vsub.f32 v4, v0;
	v0 =	vld [tilespmem:s1+$0x10610];
	v6 =	vadd.f32 v10, v6  }
0x4c: {  	v2 =	vld [tilespmem:s1+$0x10600];
	v5 =	vadd.f32 v8, v5  }
0x4d: {  	s19 =	sadd.s32 $0x200, s19;
	v4 =	vld [tilespmem:s1+$0x600];
	v8 =	vand.u32 $0x7FFFFFFF, v12;
	v6 =	vsub.f32 v6, v7;
	v7 =	vadd.f32 v11, v9  }
0x4e: {  	v9 =	vld [tilespmem:s1+$0x8600]  }
0x4f: {  	v10 =	vld [tilespmem:s1+$0x610]  }
0x50: {  	v11 =	vld [tilespmem:s1+$0x8610]  }
0x51: {  	v12 =	vld [tilespmem:s1+$0x620]  }
0x52: {  	v13 =	vld [tilespmem:s1+$0x8620]  }
0x53: {  	v14 =	vld [tilespmem:s1+$0x630]  }
0x54: {  	v15 =	vld [tilespmem:s1+$0x8630]  }
0x55: {  	v16 =	vld [tilespmem:s1+$0x10630];
	_ =	swait.ge [sflag:s23], $0x4000  }
0x56: {  	[sflag:s23] =	ssyncset.done $0x0  }
0x57: {  	[sflag:s23] =	ssyncadd.s32 $0xFFFFC000  }
0x58: {  	_ =	swait.ge [sflag:s23], $0x4000  }
0x59: {  	[sflag:s23] =	ssyncset.done $0x0  }
0x5a: {  	[sflag:s23] =	ssyncadd.s32 $0xFFFFC000  }
0x5b: {  	_ =	swait.ge [sflag:s23], $0x4000  }
0x5c: {  	[sflag:s23] =	ssyncset.done $0x0  }
0x5d: {  	[sflag:s23] =	ssyncadd.s32 $0xFFFFC000  }
0x5e: {  	[tilespmem:s14], [sflag:$0x1] =	stream.indirect.gather [hbm4b:s3+s13], $0x80, s24, s13, $0xb8;
	[tilespmem:$0x18680] =	vst v63  }
0x5f: {  	_ = 	snop  }
0x60: {  	[tilespmem:s15], [sflag:$0x1] =	stream.indirect.gather [hbm4b:s4+s13], $0x80, s25, s13, $0xb8;
	[tilespmem:$0x18680] =	vst v63  }
0x61: {  	s19 =	simm.s32 $0x0  }
0x62: {  	[tilespmem:s16], [sflag:$0x1] =	stream.indirect.gather [hbm4b:s3+s13], $0x80, s26, s13, $0xb8;
	[tilespmem:$0x18680] =	vst v63  }
0x63: {  	v5 =	vadd.f32 v8, v5;
	v17 =	vld [tilespmem:s19+$0x14620]  }
0x64: {  	v3 =	vsub.f32 v7, v3;
	v6 =	vand.u32 $0x7FFFFFFF, v6;
	v4 =	vadd.f32 v9, v4;
	v7 =	vld [tilespmem:s19+$0x14610]  }
0x65: {  	v5 =	vadd.f32 v6, v5;
	v6 =	vld [tilespmem:s19+$0x14600]  }
0x66: {  	v3 =	vand.u32 $0x7FFFFFFF, v3;
	v2 =	vsub.f32 v4, v2;
	v4 =	vadd.f32 v11, v10;
	v8 =	vld [tilespmem:s19+$0x4600]  }
0x67: {  	v3 =	vadd.f32 v3, v5;
	v5 =	vld [tilespmem:s19+$0xC600]  }
0x68: {  	v0 =	vsub.f32 v4, v0;
	v2 =	vand.u32 $0x7FFFFFFF, v2;
	v4 =	vadd.f32 v13, v12;
	v9 =	vld [tilespmem:s19+$0x4610]  }
0x69: {  	v2 =	vadd.f32 v2, v3;
	v3 =	vld [tilespmem:s19+$0xC610]  }
0x6a: {  	v1 =	vsub.f32 v4, v1;
	v0 =	vand.u32 $0x7FFFFFFF, v0;
	v4 =	vadd.f32 v15, v14;
	v10 =	vld [tilespmem:s19+$0x4620]  }
0x6b: {  	v0 =	vadd.f32 v0, v2;
	v2 =	vld [tilespmem:s19+$0xC620]  }
0x6c: {  	v4 =	vsub.f32 v4, v16;
	v1 =	vand.u32 $0x7FFFFFFF, v1;
	v11 =	vld [tilespmem:s19+$0x4630];
	v5 =	vadd.f32 v5, v8  }
0x6d: {  	v0 =	vadd.f32 v1, v0;
	v63 =	vld [tilespmem:s19+$0xC630]  }
0x6e: {  	s1 =	simm.s32 $0x80;
	v1 =	vand.u32 $0x7FFFFFFF, v4;
	v4 =	vsub.f32 v5, v6;
	v5 =	vadd.f32 v3, v9;
	v3 =	vld [tilespmem:s19+$0x14630]  }
0x6f: {  	v6 =	vadd.f32 v1, v0;
	v1 =	vld [tilespmem:s1+$0x14620]  }
0x70: {  	v0 =	vld [tilespmem:s1+$0x14610];
	v9 =	vadd.f32 v2, v10;
	v4 =	vand.u32 $0x7FFFFFFF, v4;
	v7 =	vsub.f32 v5, v7  }
0x71: {  	v2 =	vld [tilespmem:s1+$0x14600];
	v5 =	vadd.f32 v4, v6  }
0x72: {  	s19 =	simm.s32 $0x400;
	v4 =	vld [tilespmem:s1+$0x4600];
	v6 =	vsub.f32 v9, v17;
	v8 =	vand.u32 $0x7FFFFFFF, v7;
	v7 =	vadd.f32 v63, v11  }
.LBB2_4:
0x73: {  	p0 =	sne.s32 s19, $0xFE00;
	v9 =	vld [tilespmem:s1+$0xC600];
	v5 =	vadd.f32 v8, v5  }
0x74: {  	v8 =	vld [tilespmem:s1+$0x4610];
	v6 =	vand.u32 $0x7FFFFFFF, v6;
	v3 =	vsub.f32 v7, v3;
	v7 =	vmov v1  }
0x75: {  	v1 =	vld [tilespmem:s1+$0xC610];
	v5 =	vadd.f32 v6, v5  }
0x76: {  	v6 =	vld [tilespmem:s1+$0x4620];
	v3 =	vand.u32 $0x7FFFFFFF, v3  }
0x77: {  	v10 =	vld [tilespmem:s1+$0xC620];
	v5 =	vadd.f32 v3, v5  }
0x78: {  	v3 =	vadd.f32 v9, v4;
	v9 =	vld [tilespmem:s1+$0x4630]  }
0x79: {  	v11 =	vld [tilespmem:s1+$0xC630]  }
.Ltmp1:
0x7a: {  	v2 =	vsub.f32 v3, v2;
	v4 =	vadd.f32 v1, v8;
	v3 =	vld [tilespmem:s1+$0x14630];
	s1 =	sshra.s32 s19, $0x2;
	(pc) =	sbr.rel @p0 .LBB2_4-.Ltmp1, $4  }
0x7b: {  	v1 =	vld [tilespmem:s1+$0x14620]  }
0x7c: {  	v8 =	vand.u32 $0x7FFFFFFF, v2;
	v12 =	vsub.f32 v4, v0;
	v0 =	vld [tilespmem:s1+$0x14610];
	v6 =	vadd.f32 v10, v6  }
0x7d: {  	v2 =	vld [tilespmem:s1+$0x14600];
	v5 =	vadd.f32 v8, v5  }
0x7e: {  	s19 =	sadd.s32 $0x200, s19;
	v4 =	vld [tilespmem:s1+$0x4600];
	v8 =	vand.u32 $0x7FFFFFFF, v12;
	v6 =	vsub.f32 v6, v7;
	v7 =	vadd.f32 v11, v9  }
0x7f: {  	v9 =	vld [tilespmem:s1+$0xC600]  }
0x80: {  	v10 =	vld [tilespmem:s1+$0x4610]  }
0x81: {  	v11 =	vld [tilespmem:s1+$0xC610]  }
0x82: {  	v12 =	vld [tilespmem:s1+$0x4620]  }
0x83: {  	v13 =	vld [tilespmem:s1+$0xC620]  }
0x84: {  	v14 =	vld [tilespmem:s1+$0x4630]  }
0x85: {  	v15 =	vld [tilespmem:s1+$0xC630]  }
0x86: {  	v16 =	vld [tilespmem:s1+$0x14630];
	_ =	swait.ge [sflag:s17], $0x4000  }
0x87: {  	[sflag:s17] =	ssyncset.done $0x0  }
0x88: {  	[sflag:s17] =	ssyncadd.s32 $0xFFFFC000  }
0x89: {  	_ =	swait.ge [sflag:s17], $0x4000  }
0x8a: {  	[sflag:s17] =	ssyncset.done $0x0  }
0x8b: {  	[sflag:s17] =	ssyncadd.s32 $0xFFFFC000  }
0x8c: {  	_ =	swait.ge [sflag:s17], $0x4000  }
0x8d: {  	[sflag:s17] =	ssyncset.done $0x0  }
0x8e: {  	[sflag:s17] =	ssyncadd.s32 $0xFFFFC000  }
0x8f: {  	[tilespmem:s18], [sflag:$0x2] =	stream.indirect.gather [hbm4b:s3+s13], $0x80, s28, s13, $0xb8;
	[tilespmem:$0x18680] =	vst v63  }
0x90: {  	_ = 	snop  }
0x91: {  	[tilespmem:s20], [sflag:$0x2] =	stream.indirect.gather [hbm4b:s4+s13], $0x80, s29, s13, $0xb8;
	[tilespmem:$0x18680] =	vst v63  }
0x92: {  	s19 =	simm.s32 $0x0  }
0x93: {  	[tilespmem:s22], [sflag:$0x2] =	stream.indirect.gather [hbm4b:s3+s13], $0x80, s30, s13, $0xb8;
	[tilespmem:$0x18680] =	vst v63  }
0x94: {  	v5 =	vadd.f32 v8, v5;
	v17 =	vld [tilespmem:s19+$0x10620]  }
0x95: {  	v3 =	vsub.f32 v7, v3;
	v6 =	vand.u32 $0x7FFFFFFF, v6;
	v4 =	vadd.f32 v9, v4;
	v7 =	vld [tilespmem:s19+$0x10610]  }
0x96: {  	v5 =	vadd.f32 v6, v5;
	v6 =	vld [tilespmem:s19+$0x10600]  }
0x97: {  	v3 =	vand.u32 $0x7FFFFFFF, v3;
	v2 =	vsub.f32 v4, v2;
	v4 =	vadd.f32 v11, v10;
	v8 =	vld [tilespmem:s19+$0x600]  }
0x98: {  	v3 =	vadd.f32 v3, v5;
	v5 =	vld [tilespmem:s19+$0x8600]  }
0x99: {  	v0 =	vsub.f32 v4, v0;
	v2 =	vand.u32 $0x7FFFFFFF, v2;
	v4 =	vadd.f32 v13, v12;
	v9 =	vld [tilespmem:s19+$0x610]  }
0x9a: {  	v2 =	vadd.f32 v2, v3;
	v3 =	vld [tilespmem:s19+$0x8610]  }
0x9b: {  	v1 =	vsub.f32 v4, v1;
	v0 =	vand.u32 $0x7FFFFFFF, v0;
	v4 =	vadd.f32 v15, v14;
	v10 =	vld [tilespmem:s19+$0x620]  }
0x9c: {  	v0 =	vadd.f32 v0, v2;
	v2 =	vld [tilespmem:s19+$0x8620]  }
0x9d: {  	v4 =	vsub.f32 v4, v16;
	v1 =	vand.u32 $0x7FFFFFFF, v1;
	v11 =	vld [tilespmem:s19+$0x630];
	v5 =	vadd.f32 v5, v8  }
0x9e: {  	v0 =	vadd.f32 v1, v0;
	v63 =	vld [tilespmem:s19+$0x8630]  }
0x9f: {  	s1 =	simm.s32 $0x80;
	v1 =	vand.u32 $0x7FFFFFFF, v4;
	v4 =	vsub.f32 v5, v6;
	v5 =	vadd.f32 v3, v9;
	v3 =	vld [tilespmem:s19+$0x10630]  }
0xa0: {  	v6 =	vadd.f32 v1, v0;
	v1 =	vld [tilespmem:s1+$0x10620]  }
0xa1: {  	v0 =	vld [tilespmem:s1+$0x10610];
	v9 =	vadd.f32 v2, v10;
	v4 =	vand.u32 $0x7FFFFFFF, v4;
	v7 =	vsub.f32 v5, v7  }
0xa2: {  	v2 =	vld [tilespmem:s1+$0x10600];
	v5 =	vadd.f32 v4, v6  }
0xa3: {  	s19 =	simm.s32 $0x400;
	v4 =	vld [tilespmem:s1+$0x600];
	v6 =	vsub.f32 v9, v17;
	v8 =	vand.u32 $0x7FFFFFFF, v7;
	v7 =	vadd.f32 v63, v11  }
.LBB2_6:
0xa4: {  	p0 =	sne.s32 s19, $0xFE00;
	v9 =	vld [tilespmem:s1+$0x8600];
	v5 =	vadd.f32 v8, v5  }
0xa5: {  	v8 =	vld [tilespmem:s1+$0x610];
	v6 =	vand.u32 $0x7FFFFFFF, v6;
	v3 =	vsub.f32 v7, v3;
	v7 =	vmov v1  }
0xa6: {  	v1 =	vld [tilespmem:s1+$0x8610];
	v5 =	vadd.f32 v6, v5  }
0xa7: {  	v6 =	vld [tilespmem:s1+$0x620];
	v3 =	vand.u32 $0x7FFFFFFF, v3  }
0xa8: {  	v10 =	vld [tilespmem:s1+$0x8620];
	v5 =	vadd.f32 v3, v5  }
0xa9: {  	v3 =	vadd.f32 v9, v4;
	v9 =	vld [tilespmem:s1+$0x630]  }
0xaa: {  	v11 =	vld [tilespmem:s1+$0x8630]  }
.Ltmp2:
0xab: {  	v2 =	vsub.f32 v3, v2;
	v4 =	vadd.f32 v1, v8;
	v3 =	vld [tilespmem:s1+$0x10630];
	s1 =	sshra.s32 s19, $0x2;
	(pc) =	sbr.rel @p0 .LBB2_6-.Ltmp2, $4  }
0xac: {  	v1 =	vld [tilespmem:s1+$0x10620]  }
0xad: {  	v8 =	vand.u32 $0x7FFFFFFF, v2;
	v12 =	vsub.f32 v4, v0;
	v0 =	vld [tilespmem:s1+$0x10610];
	v6 =	vadd.f32 v10, v6  }
0xae: {  	v2 =	vld [tilespmem:s1+$0x10600];
	v5 =	vadd.f32 v8, v5  }
0xaf: {  	s19 =	sadd.s32 $0x200, s19;
	v4 =	vld [tilespmem:s1+$0x600];
	v8 =	vand.u32 $0x7FFFFFFF, v12;
	v6 =	vsub.f32 v6, v7;
	v7 =	vadd.f32 v11, v9  }
0xb0: {  	v9 =	vld [tilespmem:s1+$0x8600]  }
0xb1: {  	v10 =	vld [tilespmem:s1+$0x610]  }
0xb2: {  	v11 =	vld [tilespmem:s1+$0x8610]  }
0xb3: {  	v12 =	vld [tilespmem:s1+$0x620]  }
0xb4: {  	v13 =	vld [tilespmem:s1+$0x8620]  }
0xb5: {  	v14 =	vld [tilespmem:s1+$0x630]  }
0xb6: {  	v15 =	vld [tilespmem:s1+$0x8630]  }
0xb7: {  	v16 =	vld [tilespmem:s1+$0x10630];
	_ =	swait.ge [sflag:s23], $0x4000  }
0xb8: {  	[sflag:s23] =	ssyncset.done $0x0  }
0xb9: {  	[sflag:s23] =	ssyncadd.s32 $0xFFFFC000  }
0xba: {  	_ =	swait.ge [sflag:s23], $0x4000  }
0xbb: {  	[sflag:s23] =	ssyncset.done $0x0  }
0xbc: {  	[sflag:s23] =	ssyncadd.s32 $0xFFFFC000  }
0xbd: {  	_ =	swait.ge [sflag:s23], $0x4000  }
0xbe: {  	[sflag:s23] =	ssyncset.done $0x0  }
0xbf: {  	s19 =	simm.s32 $0x0;
	[sflag:s23] =	ssyncadd.s32 $0xFFFFC000  }
0xc0: {  	v5 =	vadd.f32 v8, v5;
	v17 =	vld [tilespmem:s19+$0x14620]  }
0xc1: {  	v3 =	vsub.f32 v7, v3;
	v6 =	vand.u32 $0x7FFFFFFF, v6;
	v4 =	vadd.f32 v9, v4;
	v7 =	vld [tilespmem:s19+$0x14610]  }
0xc2: {  	v5 =	vadd.f32 v6, v5;
	v6 =	vld [tilespmem:s19+$0x14600]  }
0xc3: {  	v3 =	vand.u32 $0x7FFFFFFF, v3;
	v2 =	vsub.f32 v4, v2;
	v4 =	vadd.f32 v11, v10;
	v8 =	vld [tilespmem:s19+$0x4600]  }
0xc4: {  	v3 =	vadd.f32 v3, v5;
	v5 =	vld [tilespmem:s19+$0xC600]  }
0xc5: {  	v0 =	vsub.f32 v4, v0;
	v2 =	vand.u32 $0x7FFFFFFF, v2;
	v4 =	vadd.f32 v13, v12;
	v9 =	vld [tilespmem:s19+$0x4610]  }
0xc6: {  	v2 =	vadd.f32 v2, v3;
	v3 =	vld [tilespmem:s19+$0xC610]  }
0xc7: {  	v10 =	vld [tilespmem:s19+$0x4620];
	v1 =	vsub.f32 v4, v1;
	v0 =	vand.u32 $0x7FFFFFFF, v0;
	v4 =	vadd.f32 v15, v14  }
0xc8: {  	v0 =	vadd.f32 v0, v2;
	v2 =	vld [tilespmem:s19+$0xC620]  }
0xc9: {  	v11 =	vld [tilespmem:s19+$0x4630];
	v4 =	vsub.f32 v4, v16;
	v1 =	vand.u32 $0x7FFFFFFF, v1;
	v5 =	vadd.f32 v5, v8  }
0xca: {  	v63 =	vld [tilespmem:s19+$0xC630];
	v0 =	vadd.f32 v1, v0  }
0xcb: {  	s1 =	simm.s32 $0x80;
	v1 =	vand.u32 $0x7FFFFFFF, v4;
	v4 =	vsub.f32 v5, v6;
	v5 =	vadd.f32 v3, v9;
	v3 =	vld [tilespmem:s19+$0x14630]  }
0xcc: {  	v6 =	vadd.f32 v1, v0;
	v1 =	vld [tilespmem:s1+$0x14620]  }
0xcd: {  	v0 =	vld [tilespmem:s1+$0x14610];
	v9 =	vadd.f32 v2, v10;
	v4 =	vand.u32 $0x7FFFFFFF, v4;
	v7 =	vsub.f32 v5, v7  }
0xce: {  	v2 =	vld [tilespmem:s1+$0x14600];
	v5 =	vadd.f32 v4, v6  }
0xcf: {  	s19 =	simm.s32 $0x400;
	v4 =	vld [tilespmem:s1+$0x4600];
	v6 =	vsub.f32 v9, v17;
	v8 =	vand.u32 $0x7FFFFFFF, v7;
	v7 =	vadd.f32 v63, v11  }
.LBB2_8:
0xd0: {  	p0 =	sne.s32 s19, $0xFE00;
	v9 =	vld [tilespmem:s1+$0xC600];
	v5 =	vadd.f32 v8, v5  }
0xd1: {  	v8 =	vld [tilespmem:s1+$0x4610];
	v6 =	vand.u32 $0x7FFFFFFF, v6;
	v3 =	vsub.f32 v7, v3;
	v7 =	vmov v1  }
0xd2: {  	v1 =	vld [tilespmem:s1+$0xC610];
	v5 =	vadd.f32 v6, v5  }
0xd3: {  	v6 =	vld [tilespmem:s1+$0x4620];
	v3 =	vand.u32 $0x7FFFFFFF, v3  }
0xd4: {  	v10 =	vld [tilespmem:s1+$0xC620];
	v5 =	vadd.f32 v3, v5  }
0xd5: {  	v3 =	vadd.f32 v9, v4;
	v9 =	vld [tilespmem:s1+$0x4630]  }
0xd6: {  	v11 =	vld [tilespmem:s1+$0xC630]  }
.Ltmp3:
0xd7: {  	v2 =	vsub.f32 v3, v2;
	v4 =	vadd.f32 v1, v8;
	v3 =	vld [tilespmem:s1+$0x14630];
	s1 =	sshra.s32 s19, $0x2;
	(pc) =	sbr.rel @p0 .LBB2_8-.Ltmp3, $4  }
0xd8: {  	v1 =	vld [tilespmem:s1+$0x14620]  }
0xd9: {  	v8 =	vand.u32 $0x7FFFFFFF, v2;
	v12 =	vsub.f32 v4, v0;
	v0 =	vld [tilespmem:s1+$0x14610];
	v6 =	vadd.f32 v10, v6  }
0xda: {  	v2 =	vld [tilespmem:s1+$0x14600];
	v5 =	vadd.f32 v8, v5  }
0xdb: {  	s19 =	sadd.s32 $0x200, s19;
	v4 =	vld [tilespmem:s1+$0x4600];
	v8 =	vand.u32 $0x7FFFFFFF, v12;
	v6 =	vsub.f32 v6, v7;
	v7 =	vadd.f32 v11, v9  }
0xdc: {  	v9 =	vld [tilespmem:s1+$0xC600]  }
0xdd: {  	v10 =	vld [tilespmem:s1+$0x4610]  }
0xde: {  	v11 =	vld [tilespmem:s1+$0xC610]  }
0xdf: {  	v12 =	vld [tilespmem:s1+$0x4620]  }
0xe0: {  	v5 =	vadd.f32 v8, v5;
	v55 =	vld [tilespmem:s1+$0xC620]  }
0xe1: {  	v56 =	vld [tilespmem:s1+$0x4630];
	v3 =	vsub.f32 v7, v3;
	v6 =	vand.u32 $0x7FFFFFFF, v6;
	v4 =	vadd.f32 v9, v4  }
0xe2: {  	v57 =	vld [tilespmem:s1+$0xC630];
	v5 =	vadd.f32 v6, v5  }
0xe3: {  	v3 =	vand.u32 $0x7FFFFFFF, v3;
	v58 =	vadd.f32 v11, v10;
	v2 =	vsub.f32 v4, v2  }
0xe4: {  	v59 =	vld [tilespmem:s1+$0x14630];
	v3 =	vadd.f32 v3, v5  }
0xe5: {  	v60 =	vadd.f32 v55, v12;
	v0 =	vsub.f32 v58, v0;
	v2 =	vand.u32 $0x7FFFFFFF, v2  }
0xe6: {  	v2 =	vadd.f32 v2, v3  }
0xe7: {  	v61 =	vadd.f32 v57, v56;
	v1 =	vsub.f32 v60, v1;
	v0 =	vand.u32 $0x7FFFFFFF, v0  }
0xe8: {  	v0 =	vadd.f32 v0, v2  }
0xe9: {  	v62 =	vsub.f32 v61, v59;
	v1 =	vand.u32 $0x7FFFFFFF, v1  }
0xea: {  	v0 =	vadd.f32 v1, v0  }
0xeb: {  	v63 =	vand.u32 $0x7FFFFFFF, v62  }
0xec: {  	s0 =	sadd.s32 $0x1, s0;
	v0 =	vadd.f32 v63, v0  }
0xed: {  	p0 =	sne.s32 s0, s9  }
.Ltmp4:
0xee: {  	[tilespmem:$0x18600] =	vst v0;
	(pc) =	sbr.rel @p0 .LBB2_1-.Ltmp4, $4  }
0xef: {  	[hbm4b:s8+s2] =	stream.linear.scatter [tilespmem:s31], [sflag:$0x3], $0x80, $0x38;
	[tilespmem:$0x18680] =	vst v63  }
0xf0: {  	_ =	swait.ge [sflag:s10], $0x80  }
0xf1: {  	[sflag:s10] =	ssyncset.done $0x0  }
0xf2: {  	[sflag:s10] =	ssyncadd.s32 $0xFFFFFF80  }
0xf3: {  	_ =	sfence.sel $0x180000  }
0xf4: {  	[bflag:$0x0] =	sbarrier.arrive $0xFFFF  }
0xf5: {  	_ =	strace $0x90000047  }
0xf6: {  	s0 =	stileid.u32;
	[bflag:$0x2] =	sbarrier.arrive $0xFFFF  }
0xf7: {  	p0 =	sne.s32 s0, $0x0;
	s0 =	rddreg [dreg:$0x4]  }
0xf8: {  	s0 =	sadd.s32 @!p0 $0x100000, s0  }
0xf9: {  	[sflag:s0] =	ssyncadd.tile.s32 @!p0 $0x1;
	_ =	shalt  }
.Lfunc_end2:
_tile_overlayer_lowered:
.L_overlay_start_2:
0xfa: {  	(tag) =	ssettag $0x2  }
0xfb: {  	s0 =	rddreg [dreg:$0x0];
	s2 =	stileid.u32  }
0xfc: {  	s1 =	rddreg [dreg:$0x1];
	p0 =	sne.s32 s2, $0x0  }
0xfd: {  	s3 =	rddreg [dreg:$0x2];
	[bflag:$0x3] =	sbarrier.arrive $0xFFFF;
	s2 =	simm.s32 @!p0 $0x1C03  }
0xfe: {  	[timem:s3], [sflag:s2] =	dma.local @!p0 [hbm:s0], s1  }
0xff: {  	s0 =	simm.s32 @!p0 $0x3  }
0x100: {  	_ =	swait.ge @!p0 [sflag:s0], s1  }
0x101: {  	s1 =	ssub.s32 @!p0 $0x0, s1;
	[sflag:s0] =	ssyncset.done @!p0 $0x0  }
0x102: {  	[sflag:s0] =	ssyncadd.s32 @!p0 s1  }
0x103: {  	[bflag:$0x3] =	sbarrier.arrive $0xFFFF  }
0x104: {  	_ =	shalt  }

</sc_bundles>
